<compile_context>
chip_gen: v7x
topology: tpu7x:2x2x1
jax: 0.10.2.dev20260603
libtpu: 0.0.44.dev20260713+nightly
codegen_flags: <defaults>
</compile_context>

<pallas_src>
import dataclasses
import functools

import jax
import jax.numpy as jnp
from jax import lax
from jax.experimental import pallas as pl
from jax.experimental.pallas import tpu as pltpu
from jax.experimental.pallas import tpu_sc as plsc

B = 16384
D = 64
NR = 1000000
NC = 2
NS = 16
L = 16
NW = NC * NS
BPW = B // NW
CHUNK = 128
NCH = BPW // CHUNK
GPC = CHUNK // L

TBL = 16384
TBLOG = TBL.bit_length() - 1
NTB = (NR + 2 * TBL - 1) // (2 * TBL)
UROWS = NTB * TBL

_mesh = plsc.VectorSubcoreMesh(core_axis_name="c", subcore_axis_name="s")

_cp = pltpu.CompilerParams()
if "needs_layout_passes" in pltpu.CompilerParams.__dataclass_fields__:
    _cp = dataclasses.replace(_cp, needs_layout_passes=False)
if "use_tc_tiling_on_sc" in pltpu.CompilerParams.__dataclass_fields__:
    _cp = dataclasses.replace(_cp, use_tc_tiling_on_sc=False)


def _tr_body(x_ref, o_ref):
    x = x_ref[...].reshape(D, 2 * TBL)
    t = jnp.concatenate([x[:, :TBL], x[:, TBL:]], axis=0)
    o_ref[...] = t.T


def _tc_transpose(tab3):
    return pl.pallas_call(
        _tr_body,
        grid=(NTB,),
        in_specs=[pl.BlockSpec((8, 8, 2 * TBL), lambda i: (0, 0, i))],
        out_specs=pl.BlockSpec((TBL, 2 * D), lambda i: (i, 0)),
        out_shape=jax.ShapeDtypeStruct((UROWS, 2 * D), jnp.float32),
    )(tab3)


@functools.partial(
    pl.kernel,
    mesh=_mesh,
    compiler_params=_cp,
    out_type=jax.ShapeDtypeStruct((B,), jnp.float32),
    scratch_types=[
        pltpu.VMEM((NCH, CHUNK), jnp.int32),
        pltpu.VMEM((NCH, CHUNK), jnp.int32),
        pltpu.VMEM((NCH, CHUNK), jnp.int32),
        pltpu.VMEM((NCH, CHUNK), jnp.int32),
        pltpu.VMEM((CHUNK, 2 * D), jnp.float32),
        pltpu.VMEM((CHUNK, 2 * D), jnp.float32),
        pltpu.VMEM((BPW,), jnp.float32),
        pltpu.SemaphoreType.DMA,
    ],
)
def _mf_dot_kernel(uid_hbm, iid_hbm, utab_hbm, itab_hbm, out_hbm,
                   uidx, ublk, iidx, iblk, urows, irows, outv, sem):
    wid = lax.axis_index("s") * NC + lax.axis_index("c")
    pltpu.sync_copy(uid_hbm.at[wid], uidx)
    pltpu.sync_copy(iid_hbm.at[wid], iidx)

    @pl.loop(0, NCH * CHUNK // L)
    def _blk(i):
        c = i // (CHUNK // L)
        o = (i % (CHUNK // L)) * L
        sl = pl.ds(o, L)
        u = uidx[c, sl]
        ublk[c, sl] = jnp.bitwise_or(
            jax.lax.shift_left(
                jax.lax.shift_right_logical(u, TBLOG + 1), TBLOG),
            jnp.bitwise_and(u, TBL - 1))
        v = iidx[c, sl]
        iblk[c, sl] = jnp.bitwise_or(
            jax.lax.shift_left(
                jax.lax.shift_right_logical(v, TBLOG + 1), TBLOG),
            jnp.bitwise_and(v, TBL - 1))

    @pl.loop(0, NCH)
    def _chunk(c):
        ucp = pltpu.async_copy(utab_hbm.at[ublk.at[c]], urows, sem)
        icp = pltpu.async_copy(itab_hbm.at[iblk.at[c]], irows, sem)
        ucp.wait()
        icp.wait()

        @pl.loop(0, GPC)
        def _group(g):
            rows = g * L + lax.iota(jnp.int32, L)
            uoff = jnp.bitwise_and(
                jax.lax.shift_right_logical(uidx[c, pl.ds(g * L, L)], TBLOG),
                1) * D
            ioff = jnp.bitwise_and(
                jax.lax.shift_right_logical(iidx[c, pl.ds(g * L, L)], TBLOG),
                1) * D
            acc = jnp.zeros((L,), jnp.float32)
            for d in range(D):
                u = plsc.load_gather(urows, [rows, uoff + d])
                v = plsc.load_gather(irows, [rows, ioff + d])
                acc = acc + u * v
            outv[pl.ds(c * CHUNK + g * L, L)] = acc

    pltpu.sync_copy(outv, out_hbm.at[pl.ds(wid * BPW, BPW)])


def kernel(user_ids, item_ids, user_table, item_table):
    ut = _tc_transpose(user_table.T.reshape(8, 8, NR))
    uid = user_ids.reshape(NW, NCH, CHUNK)
    iid = item_ids.reshape(NW, NCH, CHUNK)
    it = _tc_transpose(item_table.T.reshape(8, 8, NR))
    out = _mf_dot_kernel(uid, iid, ut, it)
    return out.reshape(B, 1)

# --- scband reference (transcript-rebuilt; emitter-appended) ---
"""Pipeline reference for scband-matrix-factorization-model-49933289783310 (READ-ONLY COPY).

The authoritative reference and input builder live on the scoring server;
editing this copy changes nothing except your own understanding.
"""

import jax, jax.numpy as jnp
import numpy as np

NUM_USERS = 1000000
NUM_ITEMS = 1000000
EMBED_DIM = 64
BATCH = 16384

def setup_inputs(seed: int = 0) -> dict:
    key = jax.random.key(seed)
    k1, k2, k3, k4 = jax.random.split(key, 4)
    user_ids = jax.random.randint(k1, (BATCH,), 0, NUM_USERS, dtype=jnp.int64 if jax.config.jax_enable_x64 else jnp.int32).astype(jnp.int32)
    item_ids = jax.random.randint(k2, (BATCH,), 0, NUM_ITEMS, dtype=jnp.int64 if jax.config.jax_enable_x64 else jnp.int32).astype(jnp.int32)
    # Keras Embedding default initializer is uniform(-0.05, 0.05)
    user_table = jax.random.uniform(k3, (NUM_USERS, EMBED_DIM), dtype=jnp.float32, minval=-0.05, maxval=0.05)
    item_table = jax.random.uniform(k4, (NUM_ITEMS, EMBED_DIM), dtype=jnp.float32, minval=-0.05, maxval=0.05)
    return {"user_ids": user_ids, "item_ids": item_ids, "user_table": user_table, "item_table": item_table}

def reference(user_ids, item_ids, user_table, item_table):
    # Embedding lookups (gather)
    user_emb = jnp.take(user_table, user_ids, axis=0)  # [B, D]
    item_emb = jnp.take(item_table, item_ids, axis=0)  # [B, D]
    # keras.layers.Dot(axes=1) on two [B, D] tensors -> [B, 1]
    out = jnp.sum(user_emb * item_emb, axis=1, keepdims=True)
    return out

if __name__ == "__main__":
    import jax
    _d = setup_inputs()
    print(jax.jit(kernel)(*tuple(_d.values())))

</pallas_src>

<mosaic_0001>
#map = affine_map<(d0, d1) -> (0, 0, 0)>
#map1 = affine_map<(d0, d1) -> (0, 0)>
#map2 = affine_map<(d0, d1) -> (0)>
module attributes {stable_mosaic.version = 14 : i64} {
  func.func @_mf_dot_kernel(%arg0: i32, %arg1: i32, %arg2: memref<32x4x128xi32, #tpu.memory_space<hbm>>, %arg3: memref<32x4x128xi32, #tpu.memory_space<hbm>>, %arg4: memref<507904x128xf32, #tpu.memory_space<hbm>>, %arg5: memref<507904x128xf32, #tpu.memory_space<hbm>>, %arg6: memref<16384xf32, #tpu.memory_space<hbm>>, %arg7: memref<4x128xi32, #tpu.memory_space<vmem>>, %arg8: memref<4x128xi32, #tpu.memory_space<vmem>>, %arg9: memref<4x128xi32, #tpu.memory_space<vmem>>, %arg10: memref<4x128xi32, #tpu.memory_space<vmem>>, %arg11: memref<128x128xf32, #tpu.memory_space<vmem>>, %arg12: memref<128x128xf32, #tpu.memory_space<vmem>>, %arg13: memref<512xf32, #tpu.memory_space<vmem>>, %arg14: memref<!tpu.dma_semaphore, #tpu.memory_space<semaphore_mem>>) attributes {dimension_semantics = [#tpu.dimension_semantics<core_parallel>, #tpu.dimension_semantics<subcore_parallel>], iteration_bounds = array<i64: 2, 16>, scalar_prefetch = 0 : i64, scratch_operands = 8 : i64, tpu.core_type = #tpu.core_type<sc_vector_subcore>, window_params = [{transform_indices = #map}, {transform_indices = #map}, {transform_indices = #map1}, {transform_indices = #map1}, {transform_indices = #map2}]} {
    %mul3A = arith.constant 2 : i32
    %mul3A_0 = arith.muli %arg1, %mul3A : i32
    %add3A = arith.addi %mul3A_0, %arg0 : i32
    "tpu.region"() ({
      %run_scoped3A = tpu.sem_alloc : memref<!tpu.dma_semaphore, #tpu.memory_space<semaphore_mem>>
      %dma_start3A = arith.constant 0 : i32
      %dma_start3A_12 = arith.constant 0 : i32
      %dma_start3A_13 = tpu.memref_slice %arg2[%add3A, %dma_start3A, %dma_start3A_12] : memref<32x4x128xi32, #tpu.memory_space<hbm>> -> memref<1x4x128xi32, #tpu.memory_space<hbm>>
      %dma_start3A_14 = tpu.memref_squeeze %dma_start3A_13 : memref<1x4x128xi32, #tpu.memory_space<hbm>> -> memref<4x128xi32, #tpu.memory_space<hbm>>
      %dma_start3A_15 = arith.constant 0 : i32
      %dma_start3A_16 = arith.constant 0 : i32
      %dma_start3A_17 = tpu.memref_slice %arg2[%add3A, %dma_start3A_15, %dma_start3A_16] : memref<32x4x128xi32, #tpu.memory_space<hbm>> -> memref<1x4x128xi32, #tpu.memory_space<hbm>>
      %dma_start3A_18 = tpu.memref_squeeze %dma_start3A_17 : memref<1x4x128xi32, #tpu.memory_space<hbm>> -> memref<4x128xi32, #tpu.memory_space<hbm>>
      tpu.enqueue_dma source(%dma_start3A_18 : memref<4x128xi32, #tpu.memory_space<hbm>>) target(%arg7 : memref<4x128xi32, #tpu.memory_space<vmem>>) target_semaphore(%run_scoped3A : memref<!tpu.dma_semaphore, #tpu.memory_space<semaphore_mem>>)
      %dma_wait3A = arith.constant 0 : i32
      %dma_wait3A_19 = arith.constant 0 : i32
      %dma_wait3A_20 = tpu.memref_slice %arg2[%add3A, %dma_wait3A, %dma_wait3A_19] : memref<32x4x128xi32, #tpu.memory_space<hbm>> -> memref<1x4x128xi32, #tpu.memory_space<hbm>>
      %dma_wait3A_21 = tpu.memref_squeeze %dma_wait3A_20 : memref<1x4x128xi32, #tpu.memory_space<hbm>> -> memref<4x128xi32, #tpu.memory_space<hbm>>
      %dma_wait3A_22 = arith.constant 0 : i32
      %dma_wait3A_23 = arith.constant 0 : i32
      %dma_wait3A_24 = tpu.memref_slice %arg2[%add3A, %dma_wait3A_22, %dma_wait3A_23] : memref<32x4x128xi32, #tpu.memory_space<hbm>> -> memref<1x4x128xi32, #tpu.memory_space<hbm>>
      %dma_wait3A_25 = tpu.memref_squeeze %dma_wait3A_24 : memref<1x4x128xi32, #tpu.memory_space<hbm>> -> memref<4x128xi32, #tpu.memory_space<hbm>>
      tpu.wait_dma2 semaphore(%run_scoped3A : memref<!tpu.dma_semaphore, #tpu.memory_space<semaphore_mem>>) src(%dma_wait3A_25 : memref<4x128xi32, #tpu.memory_space<hbm>>) dst(%arg7 : memref<4x128xi32, #tpu.memory_space<vmem>>)
      tpu.yield
    }) : () -> ()
    "tpu.region"() ({
      %run_scoped3A = tpu.sem_alloc : memref<!tpu.dma_semaphore, #tpu.memory_space<semaphore_mem>>
      %dma_start3A = arith.constant 0 : i32
      %dma_start3A_12 = arith.constant 0 : i32
      %dma_start3A_13 = tpu.memref_slice %arg3[%add3A, %dma_start3A, %dma_start3A_12] : memref<32x4x128xi32, #tpu.memory_space<hbm>> -> memref<1x4x128xi32, #tpu.memory_space<hbm>>
      %dma_start3A_14 = tpu.memref_squeeze %dma_start3A_13 : memref<1x4x128xi32, #tpu.memory_space<hbm>> -> memref<4x128xi32, #tpu.memory_space<hbm>>
      %dma_start3A_15 = arith.constant 0 : i32
      %dma_start3A_16 = arith.constant 0 : i32
      %dma_start3A_17 = tpu.memref_slice %arg3[%add3A, %dma_start3A_15, %dma_start3A_16] : memref<32x4x128xi32, #tpu.memory_space<hbm>> -> memref<1x4x128xi32, #tpu.memory_space<hbm>>
      %dma_start3A_18 = tpu.memref_squeeze %dma_start3A_17 : memref<1x4x128xi32, #tpu.memory_space<hbm>> -> memref<4x128xi32, #tpu.memory_space<hbm>>
      tpu.enqueue_dma source(%dma_start3A_18 : memref<4x128xi32, #tpu.memory_space<hbm>>) target(%arg9 : memref<4x128xi32, #tpu.memory_space<vmem>>) target_semaphore(%run_scoped3A : memref<!tpu.dma_semaphore, #tpu.memory_space<semaphore_mem>>)
      %dma_wait3A = arith.constant 0 : i32
      %dma_wait3A_19 = arith.constant 0 : i32
      %dma_wait3A_20 = tpu.memref_slice %arg3[%add3A, %dma_wait3A, %dma_wait3A_19] : memref<32x4x128xi32, #tpu.memory_space<hbm>> -> memref<1x4x128xi32, #tpu.memory_space<hbm>>
      %dma_wait3A_21 = tpu.memref_squeeze %dma_wait3A_20 : memref<1x4x128xi32, #tpu.memory_space<hbm>> -> memref<4x128xi32, #tpu.memory_space<hbm>>
      %dma_wait3A_22 = arith.constant 0 : i32
      %dma_wait3A_23 = arith.constant 0 : i32
      %dma_wait3A_24 = tpu.memref_slice %arg3[%add3A, %dma_wait3A_22, %dma_wait3A_23] : memref<32x4x128xi32, #tpu.memory_space<hbm>> -> memref<1x4x128xi32, #tpu.memory_space<hbm>>
      %dma_wait3A_25 = tpu.memref_squeeze %dma_wait3A_24 : memref<1x4x128xi32, #tpu.memory_space<hbm>> -> memref<4x128xi32, #tpu.memory_space<hbm>>
      tpu.wait_dma2 semaphore(%run_scoped3A : memref<!tpu.dma_semaphore, #tpu.memory_space<semaphore_mem>>) src(%dma_wait3A_25 : memref<4x128xi32, #tpu.memory_space<hbm>>) dst(%arg9 : memref<4x128xi32, #tpu.memory_space<vmem>>)
      tpu.yield
    }) : () -> ()
    %scan3A = arith.constant 0 : i32
    %scan3A_1 = arith.constant 32 : i32
    %scan3A_2 = arith.addi %scan3A, %scan3A_1 : i32
    %scan3A_3 = arith.constant 1 : i32
    scf.for %scan3A_12 = %scan3A to %scan3A_2 step %scan3A_3  : i32 {
      %mul3A_13 = arith.constant 1 : i32
      %mul3A_14 = arith.muli %scan3A_12, %mul3A_13 : i32
      %add3A_15 = arith.constant 0 : i32
      %add3A_16 = arith.addi %add3A_15, %mul3A_14 : i32
      %jit3A = arith.constant 8 : i32
      %div3A = arith.divsi %add3A_16, %jit3A : i32
      %sign3A = arith.constant 0 : i32
      %sign3A_17 = arith.cmpi sgt, %add3A_16, %sign3A : i32
      %sign3A_18 = arith.extui %sign3A_17 : i1 to i32
      %sign3A_19 = arith.constant 0 : i32
      %sign3A_20 = arith.cmpi slt, %add3A_16, %sign3A_19 : i32
      %sign3A_21 = arith.extui %sign3A_20 : i1 to i32
      %sign3A_22 = arith.subi %sign3A_18, %sign3A_21 : i32
      %sign3A_23 = arith.constant 0 : i32
      %sign3A_24 = arith.cmpi sgt, %jit3A, %sign3A_23 : i32
      %sign3A_25 = arith.extui %sign3A_24 : i1 to i32
      %sign3A_26 = arith.constant 0 : i32
      %sign3A_27 = arith.cmpi slt, %jit3A, %sign3A_26 : i32
      %sign3A_28 = arith.extui %sign3A_27 : i1 to i32
      %sign3A_29 = arith.subi %sign3A_25, %sign3A_28 : i32
      %ne3A = arith.cmpi ne, %sign3A_22, %sign3A_29 : i32
      %rem3A = arith.remsi %add3A_16, %jit3A : i32
      %ne3A_30 = arith.constant 0 : i32
      %ne3A_31 = arith.cmpi ne, %rem3A, %ne3A_30 : i32
      %and3A = arith.andi %ne3A, %ne3A_31 : i1
      %sub3A = arith.constant 1 : i32
      %sub3A_32 = arith.subi %div3A, %sub3A : i32
      %select_n3A = arith.select %and3A, %sub3A_32, %div3A : i32
      %jit3A_33 = arith.constant 8 : i32
      %eq3A = arith.constant 0 : i32
      %eq3A_34 = arith.cmpi eq, %jit3A_33, %eq3A : i32
      %jit3A_35 = arith.constant 1 : i32
      %select_n3A_36 = arith.select %eq3A_34, %jit3A_35, %jit3A_33 : i32
      %rem3A_37 = arith.remsi %add3A_16, %select_n3A_36 : i32
      %ne3A_38 = arith.constant 0 : i32
      %ne3A_39 = arith.cmpi ne, %rem3A_37, %ne3A_38 : i32
      %lt3A = arith.constant 0 : i32
      %lt3A_40 = arith.cmpi slt, %rem3A_37, %lt3A : i32
      %lt3A_41 = arith.constant 0 : i32
      %lt3A_42 = arith.cmpi slt, %select_n3A_36, %lt3A_41 : i32
      %ne3A_43 = arith.xori %lt3A_40, %lt3A_42 : i1
      %and3A_44 = arith.andi %ne3A_43, %ne3A_39 : i1
      %add3A_45 = arith.addi %rem3A_37, %select_n3A_36 : i32
      %select_n3A_46 = arith.select %and3A_44, %add3A_45, %rem3A_37 : i32
      %mul3A_47 = arith.constant 16 : i32
      %mul3A_48 = arith.muli %select_n3A_46, %mul3A_47 : i32
      %get3A = arith.index_cast %select_n3A : i32 to index
      %get3A_49 = arith.index_cast %mul3A_48 : i32 to index
      %get3A_50 = tpu.vector_load %arg7[%get3A, %get3A_49] {strides = array<i32>} : memref<4x128xi32, #tpu.memory_space<vmem>>, vector<16xi32>,
      %shift_right_logical3A = arith.constant 15 : i32
      %shift_right_logical3A_51 = vector.broadcast %shift_right_logical3A : i32 to vector<16xi32>
      %shift_right_logical3A_52 = arith.shrui %get3A_50, %shift_right_logical3A_51 : vector<16xi32>
      %shift_left3A = arith.constant 14 : i32
      %shift_left3A_53 = vector.broadcast %shift_left3A : i32 to vector<16xi32>
      %shift_left3A_54 = arith.shli %shift_right_logical3A_52, %shift_left3A_53 : vector<16xi32>
      %and3A_55 = arith.constant 16383 : i32
      %and3A_56 = vector.broadcast %and3A_55 : i32 to vector<16xi32>
      %and3A_57 = arith.andi %get3A_50, %and3A_56 : vector<16xi32>
      %or3A = arith.ori %shift_left3A_54, %and3A_57 : vector<16xi32>
      %swap3A = arith.index_cast %select_n3A : i32 to index
      %swap3A_58 = arith.index_cast %mul3A_48 : i32 to index
      %swap3A_59 = tpu.vector_load %arg8[%swap3A, %swap3A_58] {strides = array<i32>} : memref<4x128xi32, #tpu.memory_space<vmem>>, vector<16xi32>,
      tpu.vector_store %arg8[%swap3A, %swap3A_58], %or3A {strides = array<i32>} : memref<4x128xi32, #tpu.memory_space<vmem>>, vector<16xi32>,
      %get3A_60 = arith.index_cast %select_n3A : i32 to index
      %get3A_61 = arith.index_cast %mul3A_48 : i32 to index
      %get3A_62 = tpu.vector_load %arg9[%get3A_60, %get3A_61] {strides = array<i32>} : memref<4x128xi32, #tpu.memory_space<vmem>>, vector<16xi32>,
      %shift_right_logical3A_63 = arith.constant 15 : i32
      %shift_right_logical3A_64 = vector.broadcast %shift_right_logical3A_63 : i32 to vector<16xi32>
      %shift_right_logical3A_65 = arith.shrui %get3A_62, %shift_right_logical3A_64 : vector<16xi32>
      %shift_left3A_66 = arith.constant 14 : i32
      %shift_left3A_67 = vector.broadcast %shift_left3A_66 : i32 to vector<16xi32>
      %shift_left3A_68 = arith.shli %shift_right_logical3A_65, %shift_left3A_67 : vector<16xi32>
      %and3A_69 = arith.constant 16383 : i32
      %and3A_70 = vector.broadcast %and3A_69 : i32 to vector<16xi32>
      %and3A_71 = arith.andi %get3A_62, %and3A_70 : vector<16xi32>
      %or3A_72 = arith.ori %shift_left3A_68, %and3A_71 : vector<16xi32>
      %swap3A_73 = arith.index_cast %select_n3A : i32 to index
      %swap3A_74 = arith.index_cast %mul3A_48 : i32 to index
      %swap3A_75 = tpu.vector_load %arg10[%swap3A_73, %swap3A_74] {strides = array<i32>} : memref<4x128xi32, #tpu.memory_space<vmem>>, vector<16xi32>,
      tpu.vector_store %arg10[%swap3A_73, %swap3A_74], %or3A_72 {strides = array<i32>} : memref<4x128xi32, #tpu.memory_space<vmem>>, vector<16xi32>,
    }
    %scan3A_4 = arith.constant 32 : i32
    %scan3A_5 = arith.constant 0 : i32
    %scan3A_6 = arith.constant 4 : i32
    %scan3A_7 = arith.addi %scan3A_5, %scan3A_6 : i32
    %scan3A_8 = arith.constant 1 : i32
    scf.for %scan3A_12 = %scan3A_5 to %scan3A_7 step %scan3A_8  : i32 {
      %mul3A_13 = arith.constant 1 : i32
      %mul3A_14 = arith.muli %scan3A_12, %mul3A_13 : i32
      %add3A_15 = arith.constant 0 : i32
      %add3A_16 = arith.addi %add3A_15, %mul3A_14 : i32
      %dma_start3A = arith.constant 0 : i32
      %dma_start3A_17 = tpu.memref_slice %arg8[%add3A_16, %dma_start3A] : memref<4x128xi32, #tpu.memory_space<vmem>> -> memref<1x128xi32, #tpu.memory_space<vmem>>
      %dma_start3A_18 = tpu.memref_squeeze %dma_start3A_17 : memref<1x128xi32, #tpu.memory_space<vmem>> -> memref<128xi32, #tpu.memory_space<vmem>>
      %dma_start3A_19 = arith.constant 0 : i32
      %dma_start3A_20 = arith.constant 0 : i32
      %dma_start3A_21 = tpu.memref_slice %arg4[%dma_start3A_19, %dma_start3A_20] : memref<507904x128xf32, #tpu.memory_space<hbm>> -> memref<507904x128xf32, #tpu.memory_space<hbm>>
      tpu.enqueue_indirect_dma source(%dma_start3A_21 : memref<507904x128xf32, #tpu.memory_space<hbm>>) target(%arg11 : memref<128x128xf32, #tpu.memory_space<vmem>>) offsets(%dma_start3A_18 : memref<128xi32, #tpu.memory_space<vmem>>) semaphore(%arg14 : memref<!tpu.dma_semaphore, #tpu.memory_space<semaphore_mem>>)
      %dma_start3A_22 = arith.constant 0 : i32
      %dma_start3A_23 = tpu.memref_slice %arg10[%add3A_16, %dma_start3A_22] : memref<4x128xi32, #tpu.memory_space<vmem>> -> memref<1x128xi32, #tpu.memory_space<vmem>>
      %dma_start3A_24 = tpu.memref_squeeze %dma_start3A_23 : memref<1x128xi32, #tpu.memory_space<vmem>> -> memref<128xi32, #tpu.memory_space<vmem>>
      %dma_start3A_25 = arith.constant 0 : i32
      %dma_start3A_26 = arith.constant 0 : i32
      %dma_start3A_27 = tpu.memref_slice %arg5[%dma_start3A_25, %dma_start3A_26] : memref<507904x128xf32, #tpu.memory_space<hbm>> -> memref<507904x128xf32, #tpu.memory_space<hbm>>
      tpu.enqueue_indirect_dma source(%dma_start3A_27 : memref<507904x128xf32, #tpu.memory_space<hbm>>) target(%arg12 : memref<128x128xf32, #tpu.memory_space<vmem>>) offsets(%dma_start3A_24 : memref<128xi32, #tpu.memory_space<vmem>>) semaphore(%arg14 : memref<!tpu.dma_semaphore, #tpu.memory_space<semaphore_mem>>)
      %dma_wait3A = arith.constant 0 : i32
      %dma_wait3A_28 = tpu.memref_slice %arg8[%add3A_16, %dma_wait3A] : memref<4x128xi32, #tpu.memory_space<vmem>> -> memref<1x128xi32, #tpu.memory_space<vmem>>
      %dma_wait3A_29 = tpu.memref_squeeze %dma_wait3A_28 : memref<1x128xi32, #tpu.memory_space<vmem>> -> memref<128xi32, #tpu.memory_space<vmem>>
      %dma_wait3A_30 = arith.constant 0 : i32
      %dma_wait3A_31 = arith.constant 0 : i32
      %dma_wait3A_32 = tpu.memref_slice %arg4[%dma_wait3A_30, %dma_wait3A_31] : memref<507904x128xf32, #tpu.memory_space<hbm>> -> memref<507904x128xf32, #tpu.memory_space<hbm>>
      tpu.wait_indirect_dma semaphore(%arg14 : memref<!tpu.dma_semaphore, #tpu.memory_space<semaphore_mem>>) src(%dma_wait3A_32 : memref<507904x128xf32, #tpu.memory_space<hbm>>) dst(%arg11 : memref<128x128xf32, #tpu.memory_space<vmem>>)
      %dma_wait3A_33 = arith.constant 0 : i32
      %dma_wait3A_34 = tpu.memref_slice %arg10[%add3A_16, %dma_wait3A_33] : memref<4x128xi32, #tpu.memory_space<vmem>> -> memref<1x128xi32, #tpu.memory_space<vmem>>
      %dma_wait3A_35 = tpu.memref_squeeze %dma_wait3A_34 : memref<1x128xi32, #tpu.memory_space<vmem>> -> memref<128xi32, #tpu.memory_space<vmem>>
      %dma_wait3A_36 = arith.constant 0 : i32
      %dma_wait3A_37 = arith.constant 0 : i32
      %dma_wait3A_38 = tpu.memref_slice %arg5[%dma_wait3A_36, %dma_wait3A_37] : memref<507904x128xf32, #tpu.memory_space<hbm>> -> memref<507904x128xf32, #tpu.memory_space<hbm>>
      tpu.wait_indirect_dma semaphore(%arg14 : memref<!tpu.dma_semaphore, #tpu.memory_space<semaphore_mem>>) src(%dma_wait3A_38 : memref<507904x128xf32, #tpu.memory_space<hbm>>) dst(%arg12 : memref<128x128xf32, #tpu.memory_space<vmem>>)
      %scan3A_39 = arith.constant 0 : i32
      %scan3A_40 = arith.constant 8 : i32
      %scan3A_41 = arith.addi %scan3A_39, %scan3A_40 : i32
      %scan3A_42 = arith.constant 1 : i32
      scf.for %scan3A_44 = %scan3A_39 to %scan3A_41 step %scan3A_42  : i32 {
        %mul3A_45 = arith.constant 1 : i32
        %mul3A_46 = arith.muli %scan3A_44, %mul3A_45 : i32
        %add3A_47 = arith.constant 0 : i32
        %add3A_48 = arith.addi %add3A_47, %mul3A_46 : i32
        %mul3A_49 = arith.constant 16 : i32
        %mul3A_50 = arith.muli %add3A_48, %mul3A_49 : i32
        %iota3A = tpu.iota {dimensions = array<i32: 0>} : vector<16xi32>
        %add3A_51 = vector.broadcast %mul3A_50 : i32 to vector<16xi32>
        %add3A_52 = arith.addi %add3A_51, %iota3A : vector<16xi32>
        %mul3A_53 = arith.constant 16 : i32
        %mul3A_54 = arith.muli %add3A_48, %mul3A_53 : i32
        %get3A = arith.index_cast %add3A_16 : i32 to index
        %get3A_55 = arith.index_cast %mul3A_54 : i32 to index
        %get3A_56 = tpu.vector_load %arg7[%get3A, %get3A_55] {strides = array<i32>} : memref<4x128xi32, #tpu.memory_space<vmem>>, vector<16xi32>,
        %shift_right_logical3A = arith.constant 14 : i32
        %shift_right_logical3A_57 = vector.broadcast %shift_right_logical3A : i32 to vector<16xi32>
        %shift_right_logical3A_58 = arith.shrui %get3A_56, %shift_right_logical3A_57 : vector<16xi32>
        %and3A = arith.constant 1 : i32
        %and3A_59 = vector.broadcast %and3A : i32 to vector<16xi32>
        %and3A_60 = arith.andi %shift_right_logical3A_58, %and3A_59 : vector<16xi32>
        %mul3A_61 = arith.constant 64 : i32
        %mul3A_62 = vector.broadcast %mul3A_61 : i32 to vector<16xi32>
        %mul3A_63 = arith.muli %and3A_60, %mul3A_62 : vector<16xi32>
        %mul3A_64 = arith.constant 16 : i32
        %mul3A_65 = arith.muli %add3A_48, %mul3A_64 : i32
        %get3A_66 = arith.index_cast %add3A_16 : i32 to index
        %get3A_67 = arith.index_cast %mul3A_65 : i32 to index
        %get3A_68 = tpu.vector_load %arg9[%get3A_66, %get3A_67] {strides = array<i32>} : memref<4x128xi32, #tpu.memory_space<vmem>>, vector<16xi32>,
        %shift_right_logical3A_69 = arith.constant 14 : i32
        %shift_right_logical3A_70 = vector.broadcast %shift_right_logical3A_69 : i32 to vector<16xi32>
        %shift_right_logical3A_71 = arith.shrui %get3A_68, %shift_right_logical3A_70 : vector<16xi32>
        %and3A_72 = arith.constant 1 : i32
        %and3A_73 = vector.broadcast %and3A_72 : i32 to vector<16xi32>
        %and3A_74 = arith.andi %shift_right_logical3A_71, %and3A_73 : vector<16xi32>
        %mul3A_75 = arith.constant 64 : i32
        %mul3A_76 = vector.broadcast %mul3A_75 : i32 to vector<16xi32>
        %mul3A_77 = arith.muli %and3A_74, %mul3A_76 : vector<16xi32>
        %broadcast_in_dim3A = arith.constant 0.000000e+00 : f32
        %broadcast_in_dim3A_78 = vector.broadcast %broadcast_in_dim3A : f32 to vector<16xf32>
        %add3A_79 = arith.constant 0 : i32
        %add3A_80 = vector.broadcast %add3A_79 : i32 to vector<16xi32>
        %add3A_81 = arith.addi %mul3A_63, %add3A_80 : vector<16xi32>
        %gather3A = tpu.vector_load_idx %arg11[%add3A_52, %add3A_81] : memref<128x128xf32, #tpu.memory_space<vmem>>[vector<16xi32>, vector<16xi32>], vector<16xf32>,
        %add3A_82 = arith.constant 0 : i32
        %add3A_83 = vector.broadcast %add3A_82 : i32 to vector<16xi32>
        %add3A_84 = arith.addi %mul3A_77, %add3A_83 : vector<16xi32>
        %gather3A_85 = tpu.vector_load_idx %arg12[%add3A_52, %add3A_84] : memref<128x128xf32, #tpu.memory_space<vmem>>[vector<16xi32>, vector<16xi32>], vector<16xf32>,
        %mul3A_86 = arith.mulf %gather3A, %gather3A_85 : vector<16xf32>
        %add3A_87 = arith.addf %broadcast_in_dim3A_78, %mul3A_86 : vector<16xf32>
        %add3A_88 = arith.constant 1 : i32
        %add3A_89 = vector.broadcast %add3A_88 : i32 to vector<16xi32>
        %add3A_90 = arith.addi %mul3A_63, %add3A_89 : vector<16xi32>
        %gather3A_91 = tpu.vector_load_idx %arg11[%add3A_52, %add3A_90] : memref<128x128xf32, #tpu.memory_space<vmem>>[vector<16xi32>, vector<16xi32>], vector<16xf32>,
        %add3A_92 = arith.constant 1 : i32
        %add3A_93 = vector.broadcast %add3A_92 : i32 to vector<16xi32>
        %add3A_94 = arith.addi %mul3A_77, %add3A_93 : vector<16xi32>
        %gather3A_95 = tpu.vector_load_idx %arg12[%add3A_52, %add3A_94] : memref<128x128xf32, #tpu.memory_space<vmem>>[vector<16xi32>, vector<16xi32>], vector<16xf32>,
        %mul3A_96 = arith.mulf %gather3A_91, %gather3A_95 : vector<16xf32>
        %add3A_97 = arith.addf %add3A_87, %mul3A_96 : vector<16xf32>
        %add3A_98 = arith.constant 2 : i32
        %add3A_99 = vector.broadcast %add3A_98 : i32 to vector<16xi32>
        %add3A_100 = arith.addi %mul3A_63, %add3A_99 : vector<16xi32>
        %gather3A_101 = tpu.vector_load_idx %arg11[%add3A_52, %add3A_100] : memref<128x128xf32, #tpu.memory_space<vmem>>[vector<16xi32>, vector<16xi32>], vector<16xf32>,
        %add3A_102 = arith.constant 2 : i32
        %add3A_103 = vector.broadcast %add3A_102 : i32 to vector<16xi32>
        %add3A_104 = arith.addi %mul3A_77, %add3A_103 : vector<16xi32>
        %gather3A_105 = tpu.vector_load_idx %arg12[%add3A_52, %add3A_104] : memref<128x128xf32, #tpu.memory_space<vmem>>[vector<16xi32>, vector<16xi32>], vector<16xf32>,
        %mul3A_106 = arith.mulf %gather3A_101, %gather3A_105 : vector<16xf32>
        %add3A_107 = arith.addf %add3A_97, %mul3A_106 : vector<16xf32>
        %add3A_108 = arith.constant 3 : i32
        %add3A_109 = vector.broadcast %add3A_108 : i32 to vector<16xi32>
        %add3A_110 = arith.addi %mul3A_63, %add3A_109 : vector<16xi32>
        %gather3A_111 = tpu.vector_load_idx %arg11[%add3A_52, %add3A_110] : memref<128x128xf32, #tpu.memory_space<vmem>>[vector<16xi32>, vector<16xi32>], vector<16xf32>,
        %add3A_112 = arith.constant 3 : i32
        %add3A_113 = vector.broadcast %add3A_112 : i32 to vector<16xi32>
        %add3A_114 = arith.addi %mul3A_77, %add3A_113 : vector<16xi32>
        %gather3A_115 = tpu.vector_load_idx %arg12[%add3A_52, %add3A_114] : memref<128x128xf32, #tpu.memory_space<vmem>>[vector<16xi32>, vector<16xi32>], vector<16xf32>,
        %mul3A_116 = arith.mulf %gather3A_111, %gather3A_115 : vector<16xf32>
        %add3A_117 = arith.addf %add3A_107, %mul3A_116 : vector<16xf32>
        %add3A_118 = arith.constant 4 : i32
        %add3A_119 = vector.broadcast %add3A_118 : i32 to vector<16xi32>
        %add3A_120 = arith.addi %mul3A_63, %add3A_119 : vector<16xi32>
        %gather3A_121 = tpu.vector_load_idx %arg11[%add3A_52, %add3A_120] : memref<128x128xf32, #tpu.memory_space<vmem>>[vector<16xi32>, vector<16xi32>], vector<16xf32>,
        %add3A_122 = arith.constant 4 : i32
        %add3A_123 = vector.broadcast %add3A_122 : i32 to vector<16xi32>
        %add3A_124 = arith.addi %mul3A_77, %add3A_123 : vector<16xi32>
        %gather3A_125 = tpu.vector_load_idx %arg12[%add3A_52, %add3A_124] : memref<128x128xf32, #tpu.memory_space<vmem>>[vector<16xi32>, vector<16xi32>], vector<16xf32>,
        %mul3A_126 = arith.mulf %gather3A_121, %gather3A_125 : vector<16xf32>
        %add3A_127 = arith.addf %add3A_117, %mul3A_126 : vector<16xf32>
        %add3A_128 = arith.constant 5 : i32
        %add3A_129 = vector.broadcast %add3A_128 : i32 to vector<16xi32>
        %add3A_130 = arith.addi %mul3A_63, %add3A_129 : vector<16xi32>
        %gather3A_131 = tpu.vector_load_idx %arg11[%add3A_52, %add3A_130] : memref<128x128xf32, #tpu.memory_space<vmem>>[vector<16xi32>, vector<16xi32>], vector<16xf32>,
        %add3A_132 = arith.constant 5 : i32
        %add3A_133 = vector.broadcast %add3A_132 : i32 to vector<16xi32>
        %add3A_134 = arith.addi %mul3A_77, %add3A_133 : vector<16xi32>
        %gather3A_135 = tpu.vector_load_idx %arg12[%add3A_52, %add3A_134] : memref<128x128xf32, #tpu.memory_space<vmem>>[vector<16xi32>, vector<16xi32>], vector<16xf32>,
        %mul3A_136 = arith.mulf %gather3A_131, %gather3A_135 : vector<16xf32>
        %add3A_137 = arith.addf %add3A_127, %mul3A_136 : vector<16xf32>
        %add3A_138 = arith.constant 6 : i32
        %add3A_139 = vector.broadcast %add3A_138 : i32 to vector<16xi32>
        %add3A_140 = arith.addi %mul3A_63, %add3A_139 : vector<16xi32>
        %gather3A_141 = tpu.vector_load_idx %arg11[%add3A_52, %add3A_140] : memref<128x128xf32, #tpu.memory_space<vmem>>[vector<16xi32>, vector<16xi32>], vector<16xf32>,
        %add3A_142 = arith.constant 6 : i32
        %add3A_143 = vector.broadcast %add3A_142 : i32 to vector<16xi32>
        %add3A_144 = arith.addi %mul3A_77, %add3A_143 : vector<16xi32>
        %gather3A_145 = tpu.vector_load_idx %arg12[%add3A_52, %add3A_144] : memref<128x128xf32, #tpu.memory_space<vmem>>[vector<16xi32>, vector<16xi32>], vector<16xf32>,
        %mul3A_146 = arith.mulf %gather3A_141, %gather3A_145 : vector<16xf32>
        %add3A_147 = arith.addf %add3A_137, %mul3A_146 : vector<16xf32>
        %add3A_148 = arith.constant 7 : i32
        %add3A_149 = vector.broadcast %add3A_148 : i32 to vector<16xi32>
        %add3A_150 = arith.addi %mul3A_63, %add3A_149 : vector<16xi32>
        %gather3A_151 = tpu.vector_load_idx %arg11[%add3A_52, %add3A_150] : memref<128x128xf32, #tpu.memory_space<vmem>>[vector<16xi32>, vector<16xi32>], vector<16xf32>,
        %add3A_152 = arith.constant 7 : i32
        %add3A_153 = vector.broadcast %add3A_152 : i32 to vector<16xi32>
        %add3A_154 = arith.addi %mul3A_77, %add3A_153 : vector<16xi32>
        %gather3A_155 = tpu.vector_load_idx %arg12[%add3A_52, %add3A_154] : memref<128x128xf32, #tpu.memory_space<vmem>>[vector<16xi32>, vector<16xi32>], vector<16xf32>,
        %mul3A_156 = arith.mulf %gather3A_151, %gather3A_155 : vector<16xf32>
        %add3A_157 = arith.addf %add3A_147, %mul3A_156 : vector<16xf32>
        %add3A_158 = arith.constant 8 : i32
        %add3A_159 = vector.broadcast %add3A_158 : i32 to vector<16xi32>
        %add3A_160 = arith.addi %mul3A_63, %add3A_159 : vector<16xi32>
        %gather3A_161 = tpu.vector_load_idx %arg11[%add3A_52, %add3A_160] : memref<128x128xf32, #tpu.memory_space<vmem>>[vector<16xi32>, vector<16xi32>], vector<16xf32>,
        %add3A_162 = arith.constant 8 : i32
        %add3A_163 = vector.broadcast %add3A_162 : i32 to vector<16xi32>
        %add3A_164 = arith.addi %mul3A_77, %add3A_163 : vector<16xi32>
        %gather3A_165 = tpu.vector_load_idx %arg12[%add3A_52, %add3A_164] : memref<128x128xf32, #tpu.memory_space<vmem>>[vector<16xi32>, vector<16xi32>], vector<16xf32>,
        %mul3A_166 = arith.mulf %gather3A_161, %gather3A_165 : vector<16xf32>
        %add3A_167 = arith.addf %add3A_157, %mul3A_166 : vector<16xf32>
        %add3A_168 = arith.constant 9 : i32
        %add3A_169 = vector.broadcast %add3A_168 : i32 to vector<16xi32>
        %add3A_170 = arith.addi %mul3A_63, %add3A_169 : vector<16xi32>
        %gather3A_171 = tpu.vector_load_idx %arg11[%add3A_52, %add3A_170] : memref<128x128xf32, #tpu.memory_space<vmem>>[vector<16xi32>, vector<16xi32>], vector<16xf32>,
        %add3A_172 = arith.constant 9 : i32
        %add3A_173 = vector.broadcast %add3A_172 : i32 to vector<16xi32>
        %add3A_174 = arith.addi %mul3A_77, %add3A_173 : vector<16xi32>
        %gather3A_175 = tpu.vector_load_idx %arg12[%add3A_52, %add3A_174] : memref<128x128xf32, #tpu.memory_space<vmem>>[vector<16xi32>, vector<16xi32>], vector<16xf32>,
        %mul3A_176 = arith.mulf %gather3A_171, %gather3A_175 : vector<16xf32>
        %add3A_177 = arith.addf %add3A_167, %mul3A_176 : vector<16xf32>
        %add3A_178 = arith.constant 10 : i32
        %add3A_179 = vector.broadcast %add3A_178 : i32 to vector<16xi32>
        %add3A_180 = arith.addi %mul3A_63, %add3A_179 : vector<16xi32>
        %gather3A_181 = tpu.vector_load_idx %arg11[%add3A_52, %add3A_180] : memref<128x128xf32, #tpu.memory_space<vmem>>[vector<16xi32>, vector<16xi32>], vector<16xf32>,
        %add3A_182 = arith.constant 10 : i32
        %add3A_183 = vector.broadcast %add3A_182 : i32 to vector<16xi32>
        %add3A_184 = arith.addi %mul3A_77, %add3A_183 : vector<16xi32>
        %gather3A_185 = tpu.vector_load_idx %arg12[%add3A_52, %add3A_184] : memref<128x128xf32, #tpu.memory_space<vmem>>[vector<16xi32>, vector<16xi32>], vector<16xf32>,
        %mul3A_186 = arith.mulf %gather3A_181, %gather3A_185 : vector<16xf32>
        %add3A_187 = arith.addf %add3A_177, %mul3A_186 : vector<16xf32>
        %add3A_188 = arith.constant 11 : i32
        %add3A_189 = vector.broadcast %add3A_188 : i32 to vector<16xi32>
        %add3A_190 = arith.addi %mul3A_63, %add3A_189 : vector<16xi32>
        %gather3A_191 = tpu.vector_load_idx %arg11[%add3A_52, %add3A_190] : memref<128x128xf32, #tpu.memory_space<vmem>>[vector<16xi32>, vector<16xi32>], vector<16xf32>,
        %add3A_192 = arith.constant 11 : i32
        %add3A_193 = vector.broadcast %add3A_192 : i32 to vector<16xi32>
        %add3A_194 = arith.addi %mul3A_77, %add3A_193 : vector<16xi32>
        %gather3A_195 = tpu.vector_load_idx %arg12[%add3A_52, %add3A_194] : memref<128x128xf32, #tpu.memory_space<vmem>>[vector<16xi32>, vector<16xi32>], vector<16xf32>,
        %mul3A_196 = arith.mulf %gather3A_191, %gather3A_195 : vector<16xf32>
        %add3A_197 = arith.addf %add3A_187, %mul3A_196 : vector<16xf32>
        %add3A_198 = arith.constant 12 : i32
        %add3A_199 = vector.broadcast %add3A_198 : i32 to vector<16xi32>
        %add3A_200 = arith.addi %mul3A_63, %add3A_199 : vector<16xi32>
        %gather3A_201 = tpu.vector_load_idx %arg11[%add3A_52, %add3A_200] : memref<128x128xf32, #tpu.memory_space<vmem>>[vector<16xi32>, vector<16xi32>], vector<16xf32>,
        %add3A_202 = arith.constant 12 : i32
        %add3A_203 = vector.broadcast %add3A_202 : i32 to vector<16xi32>
        %add3A_204 = arith.addi %mul3A_77, %add3A_203 : vector<16xi32>
        %gather3A_205 = tpu.vector_load_idx %arg12[%add3A_52, %add3A_204] : memref<128x128xf32, #tpu.memory_space<vmem>>[vector<16xi32>, vector<16xi32>], vector<16xf32>,
        %mul3A_206 = arith.mulf %gather3A_201, %gather3A_205 : vector<16xf32>
        %add3A_207 = arith.addf %add3A_197, %mul3A_206 : vector<16xf32>
        %add3A_208 = arith.constant 13 : i32
        %add3A_209 = vector.broadcast %add3A_208 : i32 to vector<16xi32>
        %add3A_210 = arith.addi %mul3A_63, %add3A_209 : vector<16xi32>
        %gather3A_211 = tpu.vector_load_idx %arg11[%add3A_52, %add3A_210] : memref<128x128xf32, #tpu.memory_space<vmem>>[vector<16xi32>, vector<16xi32>], vector<16xf32>,
        %add3A_212 = arith.constant 13 : i32
        %add3A_213 = vector.broadcast %add3A_212 : i32 to vector<16xi32>
        %add3A_214 = arith.addi %mul3A_77, %add3A_213 : vector<16xi32>
        %gather3A_215 = tpu.vector_load_idx %arg12[%add3A_52, %add3A_214] : memref<128x128xf32, #tpu.memory_space<vmem>>[vector<16xi32>, vector<16xi32>], vector<16xf32>,
        %mul3A_216 = arith.mulf %gather3A_211, %gather3A_215 : vector<16xf32>
        %add3A_217 = arith.addf %add3A_207, %mul3A_216 : vector<16xf32>
        %add3A_218 = arith.constant 14 : i32
        %add3A_219 = vector.broadcast %add3A_218 : i32 to vector<16xi32>
        %add3A_220 = arith.addi %mul3A_63, %add3A_219 : vector<16xi32>
        %gather3A_221 = tpu.vector_load_idx %arg11[%add3A_52, %add3A_220] : memref<128x128xf32, #tpu.memory_space<vmem>>[vector<16xi32>, vector<16xi32>], vector<16xf32>,
        %add3A_222 = arith.constant 14 : i32
        %add3A_223 = vector.broadcast %add3A_222 : i32 to vector<16xi32>
        %add3A_224 = arith.addi %mul3A_77, %add3A_223 : vector<16xi32>
        %gather3A_225 = tpu.vector_load_idx %arg12[%add3A_52, %add3A_224] : memref<128x128xf32, #tpu.memory_space<vmem>>[vector<16xi32>, vector<16xi32>], vector<16xf32>,
        %mul3A_226 = arith.mulf %gather3A_221, %gather3A_225 : vector<16xf32>
        %add3A_227 = arith.addf %add3A_217, %mul3A_226 : vector<16xf32>
        %add3A_228 = arith.constant 15 : i32
        %add3A_229 = vector.broadcast %add3A_228 : i32 to vector<16xi32>
        %add3A_230 = arith.addi %mul3A_63, %add3A_229 : vector<16xi32>
        %gather3A_231 = tpu.vector_load_idx %arg11[%add3A_52, %add3A_230] : memref<128x128xf32, #tpu.memory_space<vmem>>[vector<16xi32>, vector<16xi32>], vector<16xf32>,
        %add3A_232 = arith.constant 15 : i32
        %add3A_233 = vector.broadcast %add3A_232 : i32 to vector<16xi32>
        %add3A_234 = arith.addi %mul3A_77, %add3A_233 : vector<16xi32>
        %gather3A_235 = tpu.vector_load_idx %arg12[%add3A_52, %add3A_234] : memref<128x128xf32, #tpu.memory_space<vmem>>[vector<16xi32>, vector<16xi32>], vector<16xf32>,
        %mul3A_236 = arith.mulf %gather3A_231, %gather3A_235 : vector<16xf32>
        %add3A_237 = arith.addf %add3A_227, %mul3A_236 : vector<16xf32>
        %add3A_238 = arith.constant 16 : i32
        %add3A_239 = vector.broadcast %add3A_238 : i32 to vector<16xi32>
        %add3A_240 = arith.addi %mul3A_63, %add3A_239 : vector<16xi32>
        %gather3A_241 = tpu.vector_load_idx %arg11[%add3A_52, %add3A_240] : memref<128x128xf32, #tpu.memory_space<vmem>>[vector<16xi32>, vector<16xi32>], vector<16xf32>,
        %add3A_242 = arith.constant 16 : i32
        %add3A_243 = vector.broadcast %add3A_242 : i32 to vector<16xi32>
        %add3A_244 = arith.addi %mul3A_77, %add3A_243 : vector<16xi32>
        %gather3A_245 = tpu.vector_load_idx %arg12[%add3A_52, %add3A_244] : memref<128x128xf32, #tpu.memory_space<vmem>>[vector<16xi32>, vector<16xi32>], vector<16xf32>,
        %mul3A_246 = arith.mulf %gather3A_241, %gather3A_245 : vector<16xf32>
        %add3A_247 = arith.addf %add3A_237, %mul3A_246 : vector<16xf32>
        %add3A_248 = arith.constant 17 : i32
        %add3A_249 = vector.broadcast %add3A_248 : i32 to vector<16xi32>
        %add3A_250 = arith.addi %mul3A_63, %add3A_249 : vector<16xi32>
        %gather3A_251 = tpu.vector_load_idx %arg11[%add3A_52, %add3A_250] : memref<128x128xf32, #tpu.memory_space<vmem>>[vector<16xi32>, vector<16xi32>], vector<16xf32>,
        %add3A_252 = arith.constant 17 : i32
        %add3A_253 = vector.broadcast %add3A_252 : i32 to vector<16xi32>
        %add3A_254 = arith.addi %mul3A_77, %add3A_253 : vector<16xi32>
        %gather3A_255 = tpu.vector_load_idx %arg12[%add3A_52, %add3A_254] : memref<128x128xf32, #tpu.memory_space<vmem>>[vector<16xi32>, vector<16xi32>], vector<16xf32>,
        %mul3A_256 = arith.mulf %gather3A_251, %gather3A_255 : vector<16xf32>
        %add3A_257 = arith.addf %add3A_247, %mul3A_256 : vector<16xf32>
        %add3A_258 = arith.constant 18 : i32
        %add3A_259 = vector.broadcast %add3A_258 : i32 to vector<16xi32>
        %add3A_260 = arith.addi %mul3A_63, %add3A_259 : vector<16xi32>
        %gather3A_261 = tpu.vector_load_idx %arg11[%add3A_52, %add3A_260] : memref<128x128xf32, #tpu.memory_space<vmem>>[vector<16xi32>, vector<16xi32>], vector<16xf32>,
        %add3A_262 = arith.constant 18 : i32
        %add3A_263 = vector.broadcast %add3A_262 : i32 to vector<16xi32>
        %add3A_264 = arith.addi %mul3A_77, %add3A_263 : vector<16xi32>
        %gather3A_265 = tpu.vector_load_idx %arg12[%add3A_52, %add3A_264] : memref<128x128xf32, #tpu.memory_space<vmem>>[vector<16xi32>, vector<16xi32>], vector<16xf32>,
        %mul3A_266 = arith.mulf %gather3A_261, %gather3A_265 : vector<16xf32>
        %add3A_267 = arith.addf %add3A_257, %mul3A_266 : vector<16xf32>
        %add3A_268 = arith.constant 19 : i32
        %add3A_269 = vector.broadcast %add3A_268 : i32 to vector<16xi32>
        %add3A_270 = arith.addi %mul3A_63, %add3A_269 : vector<16xi32>
        %gather3A_271 = tpu.vector_load_idx %arg11[%add3A_52, %add3A_270] : memref<128x128xf32, #tpu.memory_space<vmem>>[vector<16xi32>, vector<16xi32>], vector<16xf32>,
        %add3A_272 = arith.constant 19 : i32
        %add3A_273 = vector.broadcast %add3A_272 : i32 to vector<16xi32>
        %add3A_274 = arith.addi %mul3A_77, %add3A_273 : vector<16xi32>
        %gather3A_275 = tpu.vector_load_idx %arg12[%add3A_52, %add3A_274] : memref<128x128xf32, #tpu.memory_space<vmem>>[vector<16xi32>, vector<16xi32>], vector<16xf32>,
        %mul3A_276 = arith.mulf %gather3A_271, %gather3A_275 : vector<16xf32>
        %add3A_277 = arith.addf %add3A_267, %mul3A_276 : vector<16xf32>
        %add3A_278 = arith.constant 20 : i32
        %add3A_279 = vector.broadcast %add3A_278 : i32 to vector<16xi32>
        %add3A_280 = arith.addi %mul3A_63, %add3A_279 : vector<16xi32>
        %gather3A_281 = tpu.vector_load_idx %arg11[%add3A_52, %add3A_280] : memref<128x128xf32, #tpu.memory_space<vmem>>[vector<16xi32>, vector<16xi32>], vector<16xf32>,
        %add3A_282 = arith.constant 20 : i32
        %add3A_283 = vector.broadcast %add3A_282 : i32 to vector<16xi32>
        %add3A_284 = arith.addi %mul3A_77, %add3A_283 : vector<16xi32>
        %gather3A_285 = tpu.vector_load_idx %arg12[%add3A_52, %add3A_284] : memref<128x128xf32, #tpu.memory_space<vmem>>[vector<16xi32>, vector<16xi32>], vector<16xf32>,
        %mul3A_286 = arith.mulf %gather3A_281, %gather3A_285 : vector<16xf32>
        %add3A_287 = arith.addf %add3A_277, %mul3A_286 : vector<16xf32>
        %add3A_288 = arith.constant 21 : i32
        %add3A_289 = vector.broadcast %add3A_288 : i32 to vector<16xi32>
        %add3A_290 = arith.addi %mul3A_63, %add3A_289 : vector<16xi32>
        %gather3A_291 = tpu.vector_load_idx %arg11[%add3A_52, %add3A_290] : memref<128x128xf32, #tpu.memory_space<vmem>>[vector<16xi32>, vector<16xi32>], vector<16xf32>,
        %add3A_292 = arith.constant 21 : i32
        %add3A_293 = vector.broadcast %add3A_292 : i32 to vector<16xi32>
        %add3A_294 = arith.addi %mul3A_77, %add3A_293 : vector<16xi32>
        %gather3A_295 = tpu.vector_load_idx %arg12[%add3A_52, %add3A_294] : memref<128x128xf32, #tpu.memory_space<vmem>>[vector<16xi32>, vector<16xi32>], vector<16xf32>,
        %mul3A_296 = arith.mulf %gather3A_291, %gather3A_295 : vector<16xf32>
        %add3A_297 = arith.addf %add3A_287, %mul3A_296 : vector<16xf32>
        %add3A_298 = arith.constant 22 : i32
        %add3A_299 = vector.broadcast %add3A_298 : i32 to vector<16xi32>
        %add3A_300 = arith.addi %mul3A_63, %add3A_299 : vector<16xi32>
        %gather3A_301 = tpu.vector_load_idx %arg11[%add3A_52, %add3A_300] : memref<128x128xf32, #tpu.memory_space<vmem>>[vector<16xi32>, vector<16xi32>], vector<16xf32>,
        %add3A_302 = arith.constant 22 : i32
        %add3A_303 = vector.broadcast %add3A_302 : i32 to vector<16xi32>
        %add3A_304 = arith.addi %mul3A_77, %add3A_303 : vector<16xi32>
        %gather3A_305 = tpu.vector_load_idx %arg12[%add3A_52, %add3A_304] : memref<128x128xf32, #tpu.memory_space<vmem>>[vector<16xi32>, vector<16xi32>], vector<16xf32>,
        %mul3A_306 = arith.mulf %gather3A_301, %gather3A_305 : vector<16xf32>
        %add3A_307 = arith.addf %add3A_297, %mul3A_306 : vector<16xf32>
        %add3A_308 = arith.constant 23 : i32
        %add3A_309 = vector.broadcast %add3A_308 : i32 to vector<16xi32>
        %add3A_310 = arith.addi %mul3A_63, %add3A_309 : vector<16xi32>
        %gather3A_311 = tpu.vector_load_idx %arg11[%add3A_52, %add3A_310] : memref<128x128xf32, #tpu.memory_space<vmem>>[vector<16xi32>, vector<16xi32>], vector<16xf32>,
        %add3A_312 = arith.constant 23 : i32
        %add3A_313 = vector.broadcast %add3A_312 : i32 to vector<16xi32>
        %add3A_314 = arith.addi %mul3A_77, %add3A_313 : vector<16xi32>
        %gather3A_315 = tpu.vector_load_idx %arg12[%add3A_52, %add3A_314] : memref<128x128xf32, #tpu.memory_space<vmem>>[vector<16xi32>, vector<16xi32>], vector<16xf32>,
        %mul3A_316 = arith.mulf %gather3A_311, %gather3A_315 : vector<16xf32>
        %add3A_317 = arith.addf %add3A_307, %mul3A_316 : vector<16xf32>
        %add3A_318 = arith.constant 24 : i32
        %add3A_319 = vector.broadcast %add3A_318 : i32 to vector<16xi32>
        %add3A_320 = arith.addi %mul3A_63, %add3A_319 : vector<16xi32>
        %gather3A_321 = tpu.vector_load_idx %arg11[%add3A_52, %add3A_320] : memref<128x128xf32, #tpu.memory_space<vmem>>[vector<16xi32>, vector<16xi32>], vector<16xf32>,
        %add3A_322 = arith.constant 24 : i32
        %add3A_323 = vector.broadcast %add3A_322 : i32 to vector<16xi32>
        %add3A_324 = arith.addi %mul3A_77, %add3A_323 : vector<16xi32>
        %gather3A_325 = tpu.vector_load_idx %arg12[%add3A_52, %add3A_324] : memref<128x128xf32, #tpu.memory_space<vmem>>[vector<16xi32>, vector<16xi32>], vector<16xf32>,
        %mul3A_326 = arith.mulf %gather3A_321, %gather3A_325 : vector<16xf32>
        %add3A_327 = arith.addf %add3A_317, %mul3A_326 : vector<16xf32>
        %add3A_328 = arith.constant 25 : i32
        %add3A_329 = vector.broadcast %add3A_328 : i32 to vector<16xi32>
        %add3A_330 = arith.addi %mul3A_63, %add3A_329 : vector<16xi32>
        %gather3A_331 = tpu.vector_load_idx %arg11[%add3A_52, %add3A_330] : memref<128x128xf32, #tpu.memory_space<vmem>>[vector<16xi32>, vector<16xi32>], vector<16xf32>,
        %add3A_332 = arith.constant 25 : i32
        %add3A_333 = vector.broadcast %add3A_332 : i32 to vector<16xi32>
        %add3A_334 = arith.addi %mul3A_77, %add3A_333 : vector<16xi32>
        %gather3A_335 = tpu.vector_load_idx %arg12[%add3A_52, %add3A_334] : memref<128x128xf32, #tpu.memory_space<vmem>>[vector<16xi32>, vector<16xi32>], vector<16xf32>,
        %mul3A_336 = arith.mulf %gather3A_331, %gather3A_335 : vector<16xf32>
        %add3A_337 = arith.addf %add3A_327, %mul3A_336 : vector<16xf32>
        %add3A_338 = arith.constant 26 : i32
        %add3A_339 = vector.broadcast %add3A_338 : i32 to vector<16xi32>
        %add3A_340 = arith.addi %mul3A_63, %add3A_339 : vector<16xi32>
        %gather3A_341 = tpu.vector_load_idx %arg11[%add3A_52, %add3A_340] : memref<128x128xf32, #tpu.memory_space<vmem>>[vector<16xi32>, vector<16xi32>], vector<16xf32>,
        %add3A_342 = arith.constant 26 : i32
        %add3A_343 = vector.broadcast %add3A_342 : i32 to vector<16xi32>
        %add3A_344 = arith.addi %mul3A_77, %add3A_343 : vector<16xi32>
        %gather3A_345 = tpu.vector_load_idx %arg12[%add3A_52, %add3A_344] : memref<128x128xf32, #tpu.memory_space<vmem>>[vector<16xi32>, vector<16xi32>], vector<16xf32>,
        %mul3A_346 = arith.mulf %gather3A_341, %gather3A_345 : vector<16xf32>
        %add3A_347 = arith.addf %add3A_337, %mul3A_346 : vector<16xf32>
        %add3A_348 = arith.constant 27 : i32
        %add3A_349 = vector.broadcast %add3A_348 : i32 to vector<16xi32>
        %add3A_350 = arith.addi %mul3A_63, %add3A_349 : vector<16xi32>
        %gather3A_351 = tpu.vector_load_idx %arg11[%add3A_52, %add3A_350] : memref<128x128xf32, #tpu.memory_space<vmem>>[vector<16xi32>, vector<16xi32>], vector<16xf32>,
        %add3A_352 = arith.constant 27 : i32
        %add3A_353 = vector.broadcast %add3A_352 : i32 to vector<16xi32>
        %add3A_354 = arith.addi %mul3A_77, %add3A_353 : vector<16xi32>
        %gather3A_355 = tpu.vector_load_idx %arg12[%add3A_52, %add3A_354] : memref<128x128xf32, #tpu.memory_space<vmem>>[vector<16xi32>, vector<16xi32>], vector<16xf32>,
        %mul3A_356 = arith.mulf %gather3A_351, %gather3A_355 : vector<16xf32>
        %add3A_357 = arith.addf %add3A_347, %mul3A_356 : vector<16xf32>
        %add3A_358 = arith.constant 28 : i32
        %add3A_359 = vector.broadcast %add3A_358 : i32 to vector<16xi32>
        %add3A_360 = arith.addi %mul3A_63, %add3A_359 : vector<16xi32>
        %gather3A_361 = tpu.vector_load_idx %arg11[%add3A_52, %add3A_360] : memref<128x128xf32, #tpu.memory_space<vmem>>[vector<16xi32>, vector<16xi32>], vector<16xf32>,
        %add3A_362 = arith.constant 28 : i32
        %add3A_363 = vector.broadcast %add3A_362 : i32 to vector<16xi32>
        %add3A_364 = arith.addi %mul3A_77, %add3A_363 : vector<16xi32>
        %gather3A_365 = tpu.vector_load_idx %arg12[%add3A_52, %add3A_364] : memref<128x128xf32, #tpu.memory_space<vmem>>[vector<16xi32>, vector<16xi32>], vector<16xf32>,
        %mul3A_366 = arith.mulf %gather3A_361, %gather3A_365 : vector<16xf32>
        %add3A_367 = arith.addf %add3A_357, %mul3A_366 : vector<16xf32>
        %add3A_368 = arith.constant 29 : i32
        %add3A_369 = vector.broadcast %add3A_368 : i32 to vector<16xi32>
        %add3A_370 = arith.addi %mul3A_63, %add3A_369 : vector<16xi32>
        %gather3A_371 = tpu.vector_load_idx %arg11[%add3A_52, %add3A_370] : memref<128x128xf32, #tpu.memory_space<vmem>>[vector<16xi32>, vector<16xi32>], vector<16xf32>,
        %add3A_372 = arith.constant 29 : i32
        %add3A_373 = vector.broadcast %add3A_372 : i32 to vector<16xi32>
        %add3A_374 = arith.addi %mul3A_77, %add3A_373 : vector<16xi32>
        %gather3A_375 = tpu.vector_load_idx %arg12[%add3A_52, %add3A_374] : memref<128x128xf32, #tpu.memory_space<vmem>>[vector<16xi32>, vector<16xi32>], vector<16xf32>,
        %mul3A_376 = arith.mulf %gather3A_371, %gather3A_375 : vector<16xf32>
        %add3A_377 = arith.addf %add3A_367, %mul3A_376 : vector<16xf32>
        %add3A_378 = arith.constant 30 : i32
        %add3A_379 = vector.broadcast %add3A_378 : i32 to vector<16xi32>
        %add3A_380 = arith.addi %mul3A_63, %add3A_379 : vector<16xi32>
        %gather3A_381 = tpu.vector_load_idx %arg11[%add3A_52, %add3A_380] : memref<128x128xf32, #tpu.memory_space<vmem>>[vector<16xi32>, vector<16xi32>], vector<16xf32>,
        %add3A_382 = arith.constant 30 : i32
        %add3A_383 = vector.broadcast %add3A_382 : i32 to vector<16xi32>
        %add3A_384 = arith.addi %mul3A_77, %add3A_383 : vector<16xi32>
        %gather3A_385 = tpu.vector_load_idx %arg12[%add3A_52, %add3A_384] : memref<128x128xf32, #tpu.memory_space<vmem>>[vector<16xi32>, vector<16xi32>], vector<16xf32>,
        %mul3A_386 = arith.mulf %gather3A_381, %gather3A_385 : vector<16xf32>
        %add3A_387 = arith.addf %add3A_377, %mul3A_386 : vector<16xf32>
        %add3A_388 = arith.constant 31 : i32
        %add3A_389 = vector.broadcast %add3A_388 : i32 to vector<16xi32>
        %add3A_390 = arith.addi %mul3A_63, %add3A_389 : vector<16xi32>
        %gather3A_391 = tpu.vector_load_idx %arg11[%add3A_52, %add3A_390] : memref<128x128xf32, #tpu.memory_space<vmem>>[vector<16xi32>, vector<16xi32>], vector<16xf32>,
        %add3A_392 = arith.constant 31 : i32
        %add3A_393 = vector.broadcast %add3A_392 : i32 to vector<16xi32>
        %add3A_394 = arith.addi %mul3A_77, %add3A_393 : vector<16xi32>
        %gather3A_395 = tpu.vector_load_idx %arg12[%add3A_52, %add3A_394] : memref<128x128xf32, #tpu.memory_space<vmem>>[vector<16xi32>, vector<16xi32>], vector<16xf32>,
        %mul3A_396 = arith.mulf %gather3A_391, %gather3A_395 : vector<16xf32>
        %add3A_397 = arith.addf %add3A_387, %mul3A_396 : vector<16xf32>
        %add3A_398 = arith.constant 32 : i32
        %add3A_399 = vector.broadcast %add3A_398 : i32 to vector<16xi32>
        %add3A_400 = arith.addi %mul3A_63, %add3A_399 : vector<16xi32>
        %gather3A_401 = tpu.vector_load_idx %arg11[%add3A_52, %add3A_400] : memref<128x128xf32, #tpu.memory_space<vmem>>[vector<16xi32>, vector<16xi32>], vector<16xf32>,
        %add3A_402 = arith.constant 32 : i32
        %add3A_403 = vector.broadcast %add3A_402 : i32 to vector<16xi32>
        %add3A_404 = arith.addi %mul3A_77, %add3A_403 : vector<16xi32>
        %gather3A_405 = tpu.vector_load_idx %arg12[%add3A_52, %add3A_404] : memref<128x128xf32, #tpu.memory_space<vmem>>[vector<16xi32>, vector<16xi32>], vector<16xf32>,
        %mul3A_406 = arith.mulf %gather3A_401, %gather3A_405 : vector<16xf32>
        %add3A_407 = arith.addf %add3A_397, %mul3A_406 : vector<16xf32>
        %add3A_408 = arith.constant 33 : i32
        %add3A_409 = vector.broadcast %add3A_408 : i32 to vector<16xi32>
        %add3A_410 = arith.addi %mul3A_63, %add3A_409 : vector<16xi32>
        %gather3A_411 = tpu.vector_load_idx %arg11[%add3A_52, %add3A_410] : memref<128x128xf32, #tpu.memory_space<vmem>>[vector<16xi32>, vector<16xi32>], vector<16xf32>,
        %add3A_412 = arith.constant 33 : i32
        %add3A_413 = vector.broadcast %add3A_412 : i32 to vector<16xi32>
        %add3A_414 = arith.addi %mul3A_77, %add3A_413 : vector<16xi32>
        %gather3A_415 = tpu.vector_load_idx %arg12[%add3A_52, %add3A_414] : memref<128x128xf32, #tpu.memory_space<vmem>>[vector<16xi32>, vector<16xi32>], vector<16xf32>,
        %mul3A_416 = arith.mulf %gather3A_411, %gather3A_415 : vector<16xf32>
        %add3A_417 = arith.addf %add3A_407, %mul3A_416 : vector<16xf32>
        %add3A_418 = arith.constant 34 : i32
        %add3A_419 = vector.broadcast %add3A_418 : i32 to vector<16xi32>
        %add3A_420 = arith.addi %mul3A_63, %add3A_419 : vector<16xi32>
        %gather3A_421 = tpu.vector_load_idx %arg11[%add3A_52, %add3A_420] : memref<128x128xf32, #tpu.memory_space<vmem>>[vector<16xi32>, vector<16xi32>], vector<16xf32>,
        %add3A_422 = arith.constant 34 : i32
        %add3A_423 = vector.broadcast %add3A_422 : i32 to vector<16xi32>
        %add3A_424 = arith.addi %mul3A_77, %add3A_423 : vector<16xi32>
        %gather3A_425 = tpu.vector_load_idx %arg12[%add3A_52, %add3A_424] : memref<128x128xf32, #tpu.memory_space<vmem>>[vector<16xi32>, vector<16xi32>], vector<16xf32>,
        %mul3A_426 = arith.mulf %gather3A_421, %gather3A_425 : vector<16xf32>
        %add3A_427 = arith.addf %add3A_417, %mul3A_426 : vector<16xf32>
        %add3A_428 = arith.constant 35 : i32
        %add3A_429 = vector.broadcast %add3A_428 : i32 to vector<16xi32>
        %add3A_430 = arith.addi %mul3A_63, %add3A_429 : vector<16xi32>
        %gather3A_431 = tpu.vector_load_idx %arg11[%add3A_52, %add3A_430] : memref<128x128xf32, #tpu.memory_space<vmem>>[vector<16xi32>, vector<16xi32>], vector<16xf32>,
        %add3A_432 = arith.constant 35 : i32
        %add3A_433 = vector.broadcast %add3A_432 : i32 to vector<16xi32>
        %add3A_434 = arith.addi %mul3A_77, %add3A_433 : vector<16xi32>
        %gather3A_435 = tpu.vector_load_idx %arg12[%add3A_52, %add3A_434] : memref<128x128xf32, #tpu.memory_space<vmem>>[vector<16xi32>, vector<16xi32>], vector<16xf32>,
        %mul3A_436 = arith.mulf %gather3A_431, %gather3A_435 : vector<16xf32>
        %add3A_437 = arith.addf %add3A_427, %mul3A_436 : vector<16xf32>
        %add3A_438 = arith.constant 36 : i32
        %add3A_439 = vector.broadcast %add3A_438 : i32 to vector<16xi32>
        %add3A_440 = arith.addi %mul3A_63, %add3A_439 : vector<16xi32>
        %gather3A_441 = tpu.vector_load_idx %arg11[%add3A_52, %add3A_440] : memref<128x128xf32, #tpu.memory_space<vmem>>[vector<16xi32>, vector<16xi32>], vector<16xf32>,
        %add3A_442 = arith.constant 36 : i32
        %add3A_443 = vector.broadcast %add3A_442 : i32 to vector<16xi32>
        %add3A_444 = arith.addi %mul3A_77, %add3A_443 : vector<16xi32>
        %gather3A_445 = tpu.vector_load_idx %arg12[%add3A_52, %add3A_444] : memref<128x128xf32, #tpu.memory_space<vmem>>[vector<16xi32>, vector<16xi32>], vector<16xf32>,
        %mul3A_446 = arith.mulf %gather3A_441, %gather3A_445 : vector<16xf32>
        %add3A_447 = arith.addf %add3A_437, %mul3A_446 : vector<16xf32>
        %add3A_448 = arith.constant 37 : i32
        %add3A_449 = vector.broadcast %add3A_448 : i32 to vector<16xi32>
        %add3A_450 = arith.addi %mul3A_63, %add3A_449 : vector<16xi32>
        %gather3A_451 = tpu.vector_load_idx %arg11[%add3A_52, %add3A_450] : memref<128x128xf32, #tpu.memory_space<vmem>>[vector<16xi32>, vector<16xi32>], vector<16xf32>,
        %add3A_452 = arith.constant 37 : i32
        %add3A_453 = vector.broadcast %add3A_452 : i32 to vector<16xi32>
        %add3A_454 = arith.addi %mul3A_77, %add3A_453 : vector<16xi32>
        %gather3A_455 = tpu.vector_load_idx %arg12[%add3A_52, %add3A_454] : memref<128x128xf32, #tpu.memory_space<vmem>>[vector<16xi32>, vector<16xi32>], vector<16xf32>,
        %mul3A_456 = arith.mulf %gather3A_451, %gather3A_455 : vector<16xf32>
        %add3A_457 = arith.addf %add3A_447, %mul3A_456 : vector<16xf32>
        %add3A_458 = arith.constant 38 : i32
        %add3A_459 = vector.broadcast %add3A_458 : i32 to vector<16xi32>
        %add3A_460 = arith.addi %mul3A_63, %add3A_459 : vector<16xi32>
        %gather3A_461 = tpu.vector_load_idx %arg11[%add3A_52, %add3A_460] : memref<128x128xf32, #tpu.memory_space<vmem>>[vector<16xi32>, vector<16xi32>], vector<16xf32>,
        %add3A_462 = arith.constant 38 : i32
        %add3A_463 = vector.broadcast %add3A_462 : i32 to vector<16xi32>
        %add3A_464 = arith.addi %mul3A_77, %add3A_463 : vector<16xi32>
        %gather3A_465 = tpu.vector_load_idx %arg12[%add3A_52, %add3A_464] : memref<128x128xf32, #tpu.memory_space<vmem>>[vector<16xi32>, vector<16xi32>], vector<16xf32>,
        %mul3A_466 = arith.mulf %gather3A_461, %gather3A_465 : vector<16xf32>
        %add3A_467 = arith.addf %add3A_457, %mul3A_466 : vector<16xf32>
        %add3A_468 = arith.constant 39 : i32
        %add3A_469 = vector.broadcast %add3A_468 : i32 to vector<16xi32>
        %add3A_470 = arith.addi %mul3A_63, %add3A_469 : vector<16xi32>
        %gather3A_471 = tpu.vector_load_idx %arg11[%add3A_52, %add3A_470] : memref<128x128xf32, #tpu.memory_space<vmem>>[vector<16xi32>, vector<16xi32>], vector<16xf32>,
        %add3A_472 = arith.constant 39 : i32
        %add3A_473 = vector.broadcast %add3A_472 : i32 to vector<16xi32>
        %add3A_474 = arith.addi %mul3A_77, %add3A_473 : vector<16xi32>
        %gather3A_475 = tpu.vector_load_idx %arg12[%add3A_52, %add3A_474] : memref<128x128xf32, #tpu.memory_space<vmem>>[vector<16xi32>, vector<16xi32>], vector<16xf32>,
        %mul3A_476 = arith.mulf %gather3A_471, %gather3A_475 : vector<16xf32>
        %add3A_477 = arith.addf %add3A_467, %mul3A_476 : vector<16xf32>
        %add3A_478 = arith.constant 40 : i32
        %add3A_479 = vector.broadcast %add3A_478 : i32 to vector<16xi32>
        %add3A_480 = arith.addi %mul3A_63, %add3A_479 : vector<16xi32>
        %gather3A_481 = tpu.vector_load_idx %arg11[%add3A_52, %add3A_480] : memref<128x128xf32, #tpu.memory_space<vmem>>[vector<16xi32>, vector<16xi32>], vector<16xf32>,
        %add3A_482 = arith.constant 40 : i32
        %add3A_483 = vector.broadcast %add3A_482 : i32 to vector<16xi32>
        %add3A_484 = arith.addi %mul3A_77, %add3A_483 : vector<16xi32>
        %gather3A_485 = tpu.vector_load_idx %arg12[%add3A_52, %add3A_484] : memref<128x128xf32, #tpu.memory_space<vmem>>[vector<16xi32>, vector<16xi32>], vector<16xf32>,
        %mul3A_486 = arith.mulf %gather3A_481, %gather3A_485 : vector<16xf32>
        %add3A_487 = arith.addf %add3A_477, %mul3A_486 : vector<16xf32>
        %add3A_488 = arith.constant 41 : i32
        %add3A_489 = vector.broadcast %add3A_488 : i32 to vector<16xi32>
        %add3A_490 = arith.addi %mul3A_63, %add3A_489 : vector<16xi32>
        %gather3A_491 = tpu.vector_load_idx %arg11[%add3A_52, %add3A_490] : memref<128x128xf32, #tpu.memory_space<vmem>>[vector<16xi32>, vector<16xi32>], vector<16xf32>,
        %add3A_492 = arith.constant 41 : i32
        %add3A_493 = vector.broadcast %add3A_492 : i32 to vector<16xi32>
        %add3A_494 = arith.addi %mul3A_77, %add3A_493 : vector<16xi32>
        %gather3A_495 = tpu.vector_load_idx %arg12[%add3A_52, %add3A_494] : memref<128x128xf32, #tpu.memory_space<vmem>>[vector<16xi32>, vector<16xi32>], vector<16xf32>,
        %mul3A_496 = arith.mulf %gather3A_491, %gather3A_495 : vector<16xf32>
        %add3A_497 = arith.addf %add3A_487, %mul3A_496 : vector<16xf32>
        %add3A_498 = arith.constant 42 : i32
        %add3A_499 = vector.broadcast %add3A_498 : i32 to vector<16xi32>
        %add3A_500 = arith.addi %mul3A_63, %add3A_499 : vector<16xi32>
        %gather3A_501 = tpu.vector_load_idx %arg11[%add3A_52, %add3A_500] : memref<128x128xf32, #tpu.memory_space<vmem>>[vector<16xi32>, vector<16xi32>], vector<16xf32>,
        %add3A_502 = arith.constant 42 : i32
        %add3A_503 = vector.broadcast %add3A_502 : i32 to vector<16xi32>
        %add3A_504 = arith.addi %mul3A_77, %add3A_503 : vector<16xi32>
        %gather3A_505 = tpu.vector_load_idx %arg12[%add3A_52, %add3A_504] : memref<128x128xf32, #tpu.memory_space<vmem>>[vector<16xi32>, vector<16xi32>], vector<16xf32>,
        %mul3A_506 = arith.mulf %gather3A_501, %gather3A_505 : vector<16xf32>
        %add3A_507 = arith.addf %add3A_497, %mul3A_506 : vector<16xf32>
        %add3A_508 = arith.constant 43 : i32
        %add3A_509 = vector.broadcast %add3A_508 : i32 to vector<16xi32>
        %add3A_510 = arith.addi %mul3A_63, %add3A_509 : vector<16xi32>
        %gather3A_511 = tpu.vector_load_idx %arg11[%add3A_52, %add3A_510] : memref<128x128xf32, #tpu.memory_space<vmem>>[vector<16xi32>, vector<16xi32>], vector<16xf32>,
        %add3A_512 = arith.constant 43 : i32
        %add3A_513 = vector.broadcast %add3A_512 : i32 to vector<16xi32>
        %add3A_514 = arith.addi %mul3A_77, %add3A_513 : vector<16xi32>
        %gather3A_515 = tpu.vector_load_idx %arg12[%add3A_52, %add3A_514] : memref<128x128xf32, #tpu.memory_space<vmem>>[vector<16xi32>, vector<16xi32>], vector<16xf32>,
        %mul3A_516 = arith.mulf %gather3A_511, %gather3A_515 : vector<16xf32>
        %add3A_517 = arith.addf %add3A_507, %mul3A_516 : vector<16xf32>
        %add3A_518 = arith.constant 44 : i32
        %add3A_519 = vector.broadcast %add3A_518 : i32 to vector<16xi32>
        %add3A_520 = arith.addi %mul3A_63, %add3A_519 : vector<16xi32>
        %gather3A_521 = tpu.vector_load_idx %arg11[%add3A_52, %add3A_520] : memref<128x128xf32, #tpu.memory_space<vmem>>[vector<16xi32>, vector<16xi32>], vector<16xf32>,
        %add3A_522 = arith.constant 44 : i32
        %add3A_523 = vector.broadcast %add3A_522 : i32 to vector<16xi32>
        %add3A_524 = arith.addi %mul3A_77, %add3A_523 : vector<16xi32>
        %gather3A_525 = tpu.vector_load_idx %arg12[%add3A_52, %add3A_524] : memref<128x128xf32, #tpu.memory_space<vmem>>[vector<16xi32>, vector<16xi32>], vector<16xf32>,
        %mul3A_526 = arith.mulf %gather3A_521, %gather3A_525 : vector<16xf32>
        %add3A_527 = arith.addf %add3A_517, %mul3A_526 : vector<16xf32>
        %add3A_528 = arith.constant 45 : i32
        %add3A_529 = vector.broadcast %add3A_528 : i32 to vector<16xi32>
        %add3A_530 = arith.addi %mul3A_63, %add3A_529 : vector<16xi32>
        %gather3A_531 = tpu.vector_load_idx %arg11[%add3A_52, %add3A_530] : memref<128x128xf32, #tpu.memory_space<vmem>>[vector<16xi32>, vector<16xi32>], vector<16xf32>,
        %add3A_532 = arith.constant 45 : i32
        %add3A_533 = vector.broadcast %add3A_532 : i32 to vector<16xi32>
        %add3A_534 = arith.addi %mul3A_77, %add3A_533 : vector<16xi32>
        %gather3A_535 = tpu.vector_load_idx %arg12[%add3A_52, %add3A_534] : memref<128x128xf32, #tpu.memory_space<vmem>>[vector<16xi32>, vector<16xi32>], vector<16xf32>,
        %mul3A_536 = arith.mulf %gather3A_531, %gather3A_535 : vector<16xf32>
        %add3A_537 = arith.addf %add3A_527, %mul3A_536 : vector<16xf32>
        %add3A_538 = arith.constant 46 : i32
        %add3A_539 = vector.broadcast %add3A_538 : i32 to vector<16xi32>
        %add3A_540 = arith.addi %mul3A_63, %add3A_539 : vector<16xi32>
        %gather3A_541 = tpu.vector_load_idx %arg11[%add3A_52, %add3A_540] : memref<128x128xf32, #tpu.memory_space<vmem>>[vector<16xi32>, vector<16xi32>], vector<16xf32>,
        %add3A_542 = arith.constant 46 : i32
        %add3A_543 = vector.broadcast %add3A_542 : i32 to vector<16xi32>
        %add3A_544 = arith.addi %mul3A_77, %add3A_543 : vector<16xi32>
        %gather3A_545 = tpu.vector_load_idx %arg12[%add3A_52, %add3A_544] : memref<128x128xf32, #tpu.memory_space<vmem>>[vector<16xi32>, vector<16xi32>], vector<16xf32>,
        %mul3A_546 = arith.mulf %gather3A_541, %gather3A_545 : vector<16xf32>
        %add3A_547 = arith.addf %add3A_537, %mul3A_546 : vector<16xf32>
        %add3A_548 = arith.constant 47 : i32
        %add3A_549 = vector.broadcast %add3A_548 : i32 to vector<16xi32>
        %add3A_550 = arith.addi %mul3A_63, %add3A_549 : vector<16xi32>
        %gather3A_551 = tpu.vector_load_idx %arg11[%add3A_52, %add3A_550] : memref<128x128xf32, #tpu.memory_space<vmem>>[vector<16xi32>, vector<16xi32>], vector<16xf32>,
        %add3A_552 = arith.constant 47 : i32
        %add3A_553 = vector.broadcast %add3A_552 : i32 to vector<16xi32>
        %add3A_554 = arith.addi %mul3A_77, %add3A_553 : vector<16xi32>
        %gather3A_555 = tpu.vector_load_idx %arg12[%add3A_52, %add3A_554] : memref<128x128xf32, #tpu.memory_space<vmem>>[vector<16xi32>, vector<16xi32>], vector<16xf32>,
        %mul3A_556 = arith.mulf %gather3A_551, %gather3A_555 : vector<16xf32>
        %add3A_557 = arith.addf %add3A_547, %mul3A_556 : vector<16xf32>
        %add3A_558 = arith.constant 48 : i32
        %add3A_559 = vector.broadcast %add3A_558 : i32 to vector<16xi32>
        %add3A_560 = arith.addi %mul3A_63, %add3A_559 : vector<16xi32>
        %gather3A_561 = tpu.vector_load_idx %arg11[%add3A_52, %add3A_560] : memref<128x128xf32, #tpu.memory_space<vmem>>[vector<16xi32>, vector<16xi32>], vector<16xf32>,
        %add3A_562 = arith.constant 48 : i32
        %add3A_563 = vector.broadcast %add3A_562 : i32 to vector<16xi32>
        %add3A_564 = arith.addi %mul3A_77, %add3A_563 : vector<16xi32>
        %gather3A_565 = tpu.vector_load_idx %arg12[%add3A_52, %add3A_564] : memref<128x128xf32, #tpu.memory_space<vmem>>[vector<16xi32>, vector<16xi32>], vector<16xf32>,
        %mul3A_566 = arith.mulf %gather3A_561, %gather3A_565 : vector<16xf32>
        %add3A_567 = arith.addf %add3A_557, %mul3A_566 : vector<16xf32>
        %add3A_568 = arith.constant 49 : i32
        %add3A_569 = vector.broadcast %add3A_568 : i32 to vector<16xi32>
        %add3A_570 = arith.addi %mul3A_63, %add3A_569 : vector<16xi32>
        %gather3A_571 = tpu.vector_load_idx %arg11[%add3A_52, %add3A_570] : memref<128x128xf32, #tpu.memory_space<vmem>>[vector<16xi32>, vector<16xi32>], vector<16xf32>,
        %add3A_572 = arith.constant 49 : i32
        %add3A_573 = vector.broadcast %add3A_572 : i32 to vector<16xi32>
        %add3A_574 = arith.addi %mul3A_77, %add3A_573 : vector<16xi32>
        %gather3A_575 = tpu.vector_load_idx %arg12[%add3A_52, %add3A_574] : memref<128x128xf32, #tpu.memory_space<vmem>>[vector<16xi32>, vector<16xi32>], vector<16xf32>,
        %mul3A_576 = arith.mulf %gather3A_571, %gather3A_575 : vector<16xf32>
        %add3A_577 = arith.addf %add3A_567, %mul3A_576 : vector<16xf32>
        %add3A_578 = arith.constant 50 : i32
        %add3A_579 = vector.broadcast %add3A_578 : i32 to vector<16xi32>
        %add3A_580 = arith.addi %mul3A_63, %add3A_579 : vector<16xi32>
        %gather3A_581 = tpu.vector_load_idx %arg11[%add3A_52, %add3A_580] : memref<128x128xf32, #tpu.memory_space<vmem>>[vector<16xi32>, vector<16xi32>], vector<16xf32>,
        %add3A_582 = arith.constant 50 : i32
        %add3A_583 = vector.broadcast %add3A_582 : i32 to vector<16xi32>
        %add3A_584 = arith.addi %mul3A_77, %add3A_583 : vector<16xi32>
        %gather3A_585 = tpu.vector_load_idx %arg12[%add3A_52, %add3A_584] : memref<128x128xf32, #tpu.memory_space<vmem>>[vector<16xi32>, vector<16xi32>], vector<16xf32>,
        %mul3A_586 = arith.mulf %gather3A_581, %gather3A_585 : vector<16xf32>
        %add3A_587 = arith.addf %add3A_577, %mul3A_586 : vector<16xf32>
        %add3A_588 = arith.constant 51 : i32
        %add3A_589 = vector.broadcast %add3A_588 : i32 to vector<16xi32>
        %add3A_590 = arith.addi %mul3A_63, %add3A_589 : vector<16xi32>
        %gather3A_591 = tpu.vector_load_idx %arg11[%add3A_52, %add3A_590] : memref<128x128xf32, #tpu.memory_space<vmem>>[vector<16xi32>, vector<16xi32>], vector<16xf32>,
        %add3A_592 = arith.constant 51 : i32
        %add3A_593 = vector.broadcast %add3A_592 : i32 to vector<16xi32>
        %add3A_594 = arith.addi %mul3A_77, %add3A_593 : vector<16xi32>
        %gather3A_595 = tpu.vector_load_idx %arg12[%add3A_52, %add3A_594] : memref<128x128xf32, #tpu.memory_space<vmem>>[vector<16xi32>, vector<16xi32>], vector<16xf32>,
        %mul3A_596 = arith.mulf %gather3A_591, %gather3A_595 : vector<16xf32>
        %add3A_597 = arith.addf %add3A_587, %mul3A_596 : vector<16xf32>
        %add3A_598 = arith.constant 52 : i32
        %add3A_599 = vector.broadcast %add3A_598 : i32 to vector<16xi32>
        %add3A_600 = arith.addi %mul3A_63, %add3A_599 : vector<16xi32>
        %gather3A_601 = tpu.vector_load_idx %arg11[%add3A_52, %add3A_600] : memref<128x128xf32, #tpu.memory_space<vmem>>[vector<16xi32>, vector<16xi32>], vector<16xf32>,
        %add3A_602 = arith.constant 52 : i32
        %add3A_603 = vector.broadcast %add3A_602 : i32 to vector<16xi32>
        %add3A_604 = arith.addi %mul3A_77, %add3A_603 : vector<16xi32>
        %gather3A_605 = tpu.vector_load_idx %arg12[%add3A_52, %add3A_604] : memref<128x128xf32, #tpu.memory_space<vmem>>[vector<16xi32>, vector<16xi32>], vector<16xf32>,
        %mul3A_606 = arith.mulf %gather3A_601, %gather3A_605 : vector<16xf32>
        %add3A_607 = arith.addf %add3A_597, %mul3A_606 : vector<16xf32>
        %add3A_608 = arith.constant 53 : i32
        %add3A_609 = vector.broadcast %add3A_608 : i32 to vector<16xi32>
        %add3A_610 = arith.addi %mul3A_63, %add3A_609 : vector<16xi32>
        %gather3A_611 = tpu.vector_load_idx %arg11[%add3A_52, %add3A_610] : memref<128x128xf32, #tpu.memory_space<vmem>>[vector<16xi32>, vector<16xi32>], vector<16xf32>,
        %add3A_612 = arith.constant 53 : i32
        %add3A_613 = vector.broadcast %add3A_612 : i32 to vector<16xi32>
        %add3A_614 = arith.addi %mul3A_77, %add3A_613 : vector<16xi32>
        %gather3A_615 = tpu.vector_load_idx %arg12[%add3A_52, %add3A_614] : memref<128x128xf32, #tpu.memory_space<vmem>>[vector<16xi32>, vector<16xi32>], vector<16xf32>,
        %mul3A_616 = arith.mulf %gather3A_611, %gather3A_615 : vector<16xf32>
        %add3A_617 = arith.addf %add3A_607, %mul3A_616 : vector<16xf32>
        %add3A_618 = arith.constant 54 : i32
        %add3A_619 = vector.broadcast %add3A_618 : i32 to vector<16xi32>
        %add3A_620 = arith.addi %mul3A_63, %add3A_619 : vector<16xi32>
        %gather3A_621 = tpu.vector_load_idx %arg11[%add3A_52, %add3A_620] : memref<128x128xf32, #tpu.memory_space<vmem>>[vector<16xi32>, vector<16xi32>], vector<16xf32>,
        %add3A_622 = arith.constant 54 : i32
        %add3A_623 = vector.broadcast %add3A_622 : i32 to vector<16xi32>
        %add3A_624 = arith.addi %mul3A_77, %add3A_623 : vector<16xi32>
        %gather3A_625 = tpu.vector_load_idx %arg12[%add3A_52, %add3A_624] : memref<128x128xf32, #tpu.memory_space<vmem>>[vector<16xi32>, vector<16xi32>], vector<16xf32>,
        %mul3A_626 = arith.mulf %gather3A_621, %gather3A_625 : vector<16xf32>
        %add3A_627 = arith.addf %add3A_617, %mul3A_626 : vector<16xf32>
        %add3A_628 = arith.constant 55 : i32
        %add3A_629 = vector.broadcast %add3A_628 : i32 to vector<16xi32>
        %add3A_630 = arith.addi %mul3A_63, %add3A_629 : vector<16xi32>
        %gather3A_631 = tpu.vector_load_idx %arg11[%add3A_52, %add3A_630] : memref<128x128xf32, #tpu.memory_space<vmem>>[vector<16xi32>, vector<16xi32>], vector<16xf32>,
        %add3A_632 = arith.constant 55 : i32
        %add3A_633 = vector.broadcast %add3A_632 : i32 to vector<16xi32>
        %add3A_634 = arith.addi %mul3A_77, %add3A_633 : vector<16xi32>
        %gather3A_635 = tpu.vector_load_idx %arg12[%add3A_52, %add3A_634] : memref<128x128xf32, #tpu.memory_space<vmem>>[vector<16xi32>, vector<16xi32>], vector<16xf32>,
        %mul3A_636 = arith.mulf %gather3A_631, %gather3A_635 : vector<16xf32>
        %add3A_637 = arith.addf %add3A_627, %mul3A_636 : vector<16xf32>
        %add3A_638 = arith.constant 56 : i32
        %add3A_639 = vector.broadcast %add3A_638 : i32 to vector<16xi32>
        %add3A_640 = arith.addi %mul3A_63, %add3A_639 : vector<16xi32>
        %gather3A_641 = tpu.vector_load_idx %arg11[%add3A_52, %add3A_640] : memref<128x128xf32, #tpu.memory_space<vmem>>[vector<16xi32>, vector<16xi32>], vector<16xf32>,
        %add3A_642 = arith.constant 56 : i32
        %add3A_643 = vector.broadcast %add3A_642 : i32 to vector<16xi32>
        %add3A_644 = arith.addi %mul3A_77, %add3A_643 : vector<16xi32>
        %gather3A_645 = tpu.vector_load_idx %arg12[%add3A_52, %add3A_644] : memref<128x128xf32, #tpu.memory_space<vmem>>[vector<16xi32>, vector<16xi32>], vector<16xf32>,
        %mul3A_646 = arith.mulf %gather3A_641, %gather3A_645 : vector<16xf32>
        %add3A_647 = arith.addf %add3A_637, %mul3A_646 : vector<16xf32>
        %add3A_648 = arith.constant 57 : i32
        %add3A_649 = vector.broadcast %add3A_648 : i32 to vector<16xi32>
        %add3A_650 = arith.addi %mul3A_63, %add3A_649 : vector<16xi32>
        %gather3A_651 = tpu.vector_load_idx %arg11[%add3A_52, %add3A_650] : memref<128x128xf32, #tpu.memory_space<vmem>>[vector<16xi32>, vector<16xi32>], vector<16xf32>,
        %add3A_652 = arith.constant 57 : i32
        %add3A_653 = vector.broadcast %add3A_652 : i32 to vector<16xi32>
        %add3A_654 = arith.addi %mul3A_77, %add3A_653 : vector<16xi32>
        %gather3A_655 = tpu.vector_load_idx %arg12[%add3A_52, %add3A_654] : memref<128x128xf32, #tpu.memory_space<vmem>>[vector<16xi32>, vector<16xi32>], vector<16xf32>,
        %mul3A_656 = arith.mulf %gather3A_651, %gather3A_655 : vector<16xf32>
        %add3A_657 = arith.addf %add3A_647, %mul3A_656 : vector<16xf32>
        %add3A_658 = arith.constant 58 : i32
        %add3A_659 = vector.broadcast %add3A_658 : i32 to vector<16xi32>
        %add3A_660 = arith.addi %mul3A_63, %add3A_659 : vector<16xi32>
        %gather3A_661 = tpu.vector_load_idx %arg11[%add3A_52, %add3A_660] : memref<128x128xf32, #tpu.memory_space<vmem>>[vector<16xi32>, vector<16xi32>], vector<16xf32>,
        %add3A_662 = arith.constant 58 : i32
        %add3A_663 = vector.broadcast %add3A_662 : i32 to vector<16xi32>
        %add3A_664 = arith.addi %mul3A_77, %add3A_663 : vector<16xi32>
        %gather3A_665 = tpu.vector_load_idx %arg12[%add3A_52, %add3A_664] : memref<128x128xf32, #tpu.memory_space<vmem>>[vector<16xi32>, vector<16xi32>], vector<16xf32>,
        %mul3A_666 = arith.mulf %gather3A_661, %gather3A_665 : vector<16xf32>
        %add3A_667 = arith.addf %add3A_657, %mul3A_666 : vector<16xf32>
        %add3A_668 = arith.constant 59 : i32
        %add3A_669 = vector.broadcast %add3A_668 : i32 to vector<16xi32>
        %add3A_670 = arith.addi %mul3A_63, %add3A_669 : vector<16xi32>
        %gather3A_671 = tpu.vector_load_idx %arg11[%add3A_52, %add3A_670] : memref<128x128xf32, #tpu.memory_space<vmem>>[vector<16xi32>, vector<16xi32>], vector<16xf32>,
        %add3A_672 = arith.constant 59 : i32
        %add3A_673 = vector.broadcast %add3A_672 : i32 to vector<16xi32>
        %add3A_674 = arith.addi %mul3A_77, %add3A_673 : vector<16xi32>
        %gather3A_675 = tpu.vector_load_idx %arg12[%add3A_52, %add3A_674] : memref<128x128xf32, #tpu.memory_space<vmem>>[vector<16xi32>, vector<16xi32>], vector<16xf32>,
        %mul3A_676 = arith.mulf %gather3A_671, %gather3A_675 : vector<16xf32>
        %add3A_677 = arith.addf %add3A_667, %mul3A_676 : vector<16xf32>
        %add3A_678 = arith.constant 60 : i32
        %add3A_679 = vector.broadcast %add3A_678 : i32 to vector<16xi32>
        %add3A_680 = arith.addi %mul3A_63, %add3A_679 : vector<16xi32>
        %gather3A_681 = tpu.vector_load_idx %arg11[%add3A_52, %add3A_680] : memref<128x128xf32, #tpu.memory_space<vmem>>[vector<16xi32>, vector<16xi32>], vector<16xf32>,
        %add3A_682 = arith.constant 60 : i32
        %add3A_683 = vector.broadcast %add3A_682 : i32 to vector<16xi32>
        %add3A_684 = arith.addi %mul3A_77, %add3A_683 : vector<16xi32>
        %gather3A_685 = tpu.vector_load_idx %arg12[%add3A_52, %add3A_684] : memref<128x128xf32, #tpu.memory_space<vmem>>[vector<16xi32>, vector<16xi32>], vector<16xf32>,
        %mul3A_686 = arith.mulf %gather3A_681, %gather3A_685 : vector<16xf32>
        %add3A_687 = arith.addf %add3A_677, %mul3A_686 : vector<16xf32>
        %add3A_688 = arith.constant 61 : i32
        %add3A_689 = vector.broadcast %add3A_688 : i32 to vector<16xi32>
        %add3A_690 = arith.addi %mul3A_63, %add3A_689 : vector<16xi32>
        %gather3A_691 = tpu.vector_load_idx %arg11[%add3A_52, %add3A_690] : memref<128x128xf32, #tpu.memory_space<vmem>>[vector<16xi32>, vector<16xi32>], vector<16xf32>,
        %add3A_692 = arith.constant 61 : i32
        %add3A_693 = vector.broadcast %add3A_692 : i32 to vector<16xi32>
        %add3A_694 = arith.addi %mul3A_77, %add3A_693 : vector<16xi32>
        %gather3A_695 = tpu.vector_load_idx %arg12[%add3A_52, %add3A_694] : memref<128x128xf32, #tpu.memory_space<vmem>>[vector<16xi32>, vector<16xi32>], vector<16xf32>,
        %mul3A_696 = arith.mulf %gather3A_691, %gather3A_695 : vector<16xf32>
        %add3A_697 = arith.addf %add3A_687, %mul3A_696 : vector<16xf32>
        %add3A_698 = arith.constant 62 : i32
        %add3A_699 = vector.broadcast %add3A_698 : i32 to vector<16xi32>
        %add3A_700 = arith.addi %mul3A_63, %add3A_699 : vector<16xi32>
        %gather3A_701 = tpu.vector_load_idx %arg11[%add3A_52, %add3A_700] : memref<128x128xf32, #tpu.memory_space<vmem>>[vector<16xi32>, vector<16xi32>], vector<16xf32>,
        %add3A_702 = arith.constant 62 : i32
        %add3A_703 = vector.broadcast %add3A_702 : i32 to vector<16xi32>
        %add3A_704 = arith.addi %mul3A_77, %add3A_703 : vector<16xi32>
        %gather3A_705 = tpu.vector_load_idx %arg12[%add3A_52, %add3A_704] : memref<128x128xf32, #tpu.memory_space<vmem>>[vector<16xi32>, vector<16xi32>], vector<16xf32>,
        %mul3A_706 = arith.mulf %gather3A_701, %gather3A_705 : vector<16xf32>
        %add3A_707 = arith.addf %add3A_697, %mul3A_706 : vector<16xf32>
        %add3A_708 = arith.constant 63 : i32
        %add3A_709 = vector.broadcast %add3A_708 : i32 to vector<16xi32>
        %add3A_710 = arith.addi %mul3A_63, %add3A_709 : vector<16xi32>
        %gather3A_711 = tpu.vector_load_idx %arg11[%add3A_52, %add3A_710] : memref<128x128xf32, #tpu.memory_space<vmem>>[vector<16xi32>, vector<16xi32>], vector<16xf32>,
        %add3A_712 = arith.constant 63 : i32
        %add3A_713 = vector.broadcast %add3A_712 : i32 to vector<16xi32>
        %add3A_714 = arith.addi %mul3A_77, %add3A_713 : vector<16xi32>
        %gather3A_715 = tpu.vector_load_idx %arg12[%add3A_52, %add3A_714] : memref<128x128xf32, #tpu.memory_space<vmem>>[vector<16xi32>, vector<16xi32>], vector<16xf32>,
        %mul3A_716 = arith.mulf %gather3A_711, %gather3A_715 : vector<16xf32>
        %add3A_717 = arith.addf %add3A_707, %mul3A_716 : vector<16xf32>
        %mul3A_718 = arith.constant 128 : i32
        %mul3A_719 = arith.muli %add3A_16, %mul3A_718 : i32
        %mul3A_720 = arith.constant 16 : i32
        %mul3A_721 = arith.muli %add3A_48, %mul3A_720 : i32
        %add3A_722 = arith.addi %mul3A_719, %mul3A_721 : i32
        %swap3A = arith.index_cast %add3A_722 : i32 to index
        %swap3A_723 = tpu.vector_load %arg13[%swap3A] {strides = array<i32>} : memref<512xf32, #tpu.memory_space<vmem>>, vector<16xf32>,
        tpu.vector_store %arg13[%swap3A], %add3A_717 {strides = array<i32>} : memref<512xf32, #tpu.memory_space<vmem>>, vector<16xf32>,
      }
      %scan3A_43 = arith.constant 8 : i32
    }
    %scan3A_9 = arith.constant 4 : i32
    %mul3A_10 = arith.constant 512 : i32
    %mul3A_11 = arith.muli %add3A, %mul3A_10 : i32
    "tpu.region"() ({
      %run_scoped3A = tpu.sem_alloc : memref<!tpu.dma_semaphore, #tpu.memory_space<semaphore_mem>>
      %dma_start3A = tpu.memref_slice %arg6[%mul3A_11] : memref<16384xf32, #tpu.memory_space<hbm>> -> memref<512xf32, #tpu.memory_space<hbm>>
      %dma_start3A_12 = tpu.memref_slice %arg6[%mul3A_11] : memref<16384xf32, #tpu.memory_space<hbm>> -> memref<512xf32, #tpu.memory_space<hbm>>
      tpu.enqueue_dma source(%arg13 : memref<512xf32, #tpu.memory_space<vmem>>) target(%dma_start3A_12 : memref<512xf32, #tpu.memory_space<hbm>>) target_semaphore(%run_scoped3A : memref<!tpu.dma_semaphore, #tpu.memory_space<semaphore_mem>>)
      %dma_wait3A = tpu.memref_slice %arg6[%mul3A_11] : memref<16384xf32, #tpu.memory_space<hbm>> -> memref<512xf32, #tpu.memory_space<hbm>>
      %dma_wait3A_13 = tpu.memref_slice %arg6[%mul3A_11] : memref<16384xf32, #tpu.memory_space<hbm>> -> memref<512xf32, #tpu.memory_space<hbm>>
      tpu.wait_dma2 semaphore(%run_scoped3A : memref<!tpu.dma_semaphore, #tpu.memory_space<semaphore_mem>>) src(%arg13 : memref<512xf32, #tpu.memory_space<vmem>>) dst(%dma_wait3A_13 : memref<512xf32, #tpu.memory_space<hbm>>)
      tpu.yield
    }) : () -> ()
    return
  }
}

module attributes {stable_mosaic.version = 14 : i64} {
  func.func @_tr_body(%arg0: i32, %arg1: memref<8x8x32768xf32, #tpu.memory_space<vmem>>, %arg2: memref<16384x128xf32, #tpu.memory_space<vmem>>) attributes {dimension_semantics = [#tpu.dimension_semantics<arbitrary>], iteration_bounds = array<i64: 31>, scalar_prefetch = 0 : i64, scratch_operands = 0 : i64, tpu.core_type = #tpu.core_type<tc>, window_params = [{transform_indices = @transform_0, window_bounds = array<i64: 8, 8, 32768>}, {transform_indices = @transform_1, window_bounds = array<i64: 16384, 128>}]} {
    %get3A = arith.constant 0 : index
    %get3A_0 = arith.constant 0 : index
    %get3A_1 = arith.constant 0 : index
    %get3A_2 = vector.load %arg1[%get3A, %get3A_0, %get3A_1] : memref<8x8x32768xf32, #tpu.memory_space<vmem>>, vector<8x8x32768xf32>
    %reshape3A = vector.shape_cast %get3A_2 : vector<8x8x32768xf32> to vector<64x32768xf32>
    %slice3A = vector.extract_strided_slice %reshape3A {offsets = [0, 0], sizes = [64, 16384], strides = [1, 1]} : vector<64x32768xf32> to vector<64x16384xf32>
    %slice3A_3 = vector.extract_strided_slice %reshape3A {offsets = [0, 16384], sizes = [64, 16384], strides = [1, 1]} : vector<64x32768xf32> to vector<64x16384xf32>
    %concatenate3A = tpu.concatenate %slice3A, %slice3A_3 in 0 : vector<64x16384xf32>, vector<64x16384xf32> -> vector<128x16384xf32>
    %transpose3A = tpu.transpose %concatenate3A, [1, 0] : vector<128x16384xf32> -> vector<16384x128xf32>
    %swap3A = arith.constant 0 : index
    %swap3A_4 = arith.constant 0 : index
    %swap3A_5 = vector.load %arg2[%swap3A, %swap3A_4] : memref<16384x128xf32, #tpu.memory_space<vmem>>, vector<16384x128xf32>
    tpu.vector_store %arg2[%swap3A, %swap3A_4], %transpose3A {strides = array<i32>} : memref<16384x128xf32, #tpu.memory_space<vmem>>, vector<16384x128xf32>,
    return
  }
  func.func @transform_0(%arg0: i32) -> (i32, i32, i32) {
    %c0_i32 = arith.constant 0 : i32
    %c0_i32_0 = arith.constant 0 : i32
    %c0_i32_1 = arith.constant 0 : i32
    return %c0_i32, %c0_i32_0, %arg0 : i32, i32, i32
  }
  func.func @transform_1(%arg0: i32) -> (i32, i32) {
    %c0_i32 = arith.constant 0 : i32
    %c0_i32_0 = arith.constant 0 : i32
    return %arg0, %c0_i32 : i32, i32
  }
}

</mosaic_0001>

<sc_bundles>
// kernel: kernel.5.cloned.1.call-start
scs
__scs_entry_jumppad:
0x0: {  	(pc) =	sbr.rel $0x88, $3  }
0x1: {  	(tag) =	ssettag $0x0;
	lr =	simm.s32 $0x1  }
0x2: {  	[smem:$0x3F9D] =	sst lr;
	_ =	strace $0xD0000000  }
0x3: {  	_ = 	snop  }
0x4: {  	_ = 	snop  }
0x5: {  	_ = 	snop  }
0x6: {  	_ = 	snop  }
0x7: {  	_ = 	snop  }
__scs_overlays_trampoline_lowered:
0x8: {  	[smem:$0x3FAC] =	sst s0  }
0x9: {  	[smem:$0x3FAD] =	sst s1  }
0xa: {  	[smem:$0x3FAE] =	sst s2  }
0xb: {  	[smem:$0x3FAF] =	sst s3  }
0xc: {  	[smem:$0x3FB0] =	sst s4  }
0xd: {  	[smem:$0x3FB1] =	sst s5  }
0xe: {  	[smem:$0x3FB2] =	sst s6  }
0xf: {  	[smem:$0x3FB3] =	sst s7  }
0x10: {  	[smem:$0x3FB4] =	sst s8  }
0x11: {  	[smem:$0x3FB5] =	sst s9;
	s0 =	simm.s32 @!p0 $0x0  }
0x12: {  	s1 =	sld [smem:$0x3F9B];
	s0 =	simm.s32 @p0 $0x1  }
0x13: {  	[smem:$0x3FB6] =	sst s0;
	s0 =	simm.s32 @!p1 $0x0  }
0x14: {  	s2 =	sld [smem:$0x3F9A];
	s0 =	simm.s32 @p1 $0x1  }
0x15: {  	[smem:$0x3FB7] =	sst s0;
	s0 =	simm.s32 @!p2 $0x0  }
0x16: {  	s3 =	sld [smem:$0x3FDB];
	s0 =	simm.s32 @p2 $0x1  }
0x17: {  	s4 =	simm.s32 $0x1BF5;
	[smem:$0x3FB9] =	sst s0  }
0x18: {  	s0 =	sld [smem:$0x3F9C];
	_ =	swait.ge [sflag:s4], $0x0  }
0x19: {  	s7 =	sld [smem:$0x3F9D]  }
0x1a: {  	s8 =	sadd.s32 $0xFFFFE003, lr  }
0x1b: {  	s9 =	sadd.s32 $0xFFFFFEF7, lr;
	s5 =	simm.s32 $0xFFFFFFFF;
	p2 =	slt.u32 s8, $0xFFFFF086  }
0x1c: {  	p1 =	slt.u32 s9, $0xF7A;
	s5 =	simm.s32 @!p2 $0x0  }
0x1d: {  	s5 =	simm.s32 @p1 $0x1;
	p0 =	seq.s32 s7, s2  }
0x1e: {  	s7 =	smul.u32 @!p0 $0xF7A, s2;
	p2 =	seq.s32 @!p0 s5, $0x0  }
0x1f: {  	s9 =	smul.u32 $0xF7A, s1;
	s8 =	simm.s32 @!p0 $0x1BF5;
	p2 =	por !p2, p0  }
0x20: {  	[sflag:s8] =	ssyncset.s32 @!p0 $0xFFFFF086;
	s6 =	sadd.s32 @!p0 s3, s7;
	s7 =	simm.s32 @!p0 $0x108  }
0x21: {  	s3 =	sadd.s32 s3, s9;
	s6 =	sadd.s32 @!p0 $0x88, s6;
	s7 =	simm.s32 @p2 $0x1082  }
0x22: {  	[simem:s7], [sflag:s8] =	dma.local @!p0 [hbm:s6], $0xF7A  }
0x23: {  	s9 =	sor.u32 $0xD0000000, s2;
	s6 =	simm.s32 $0x108;
	_ =	swait.ge @!p0 [sflag:s8], $0x0  }
0x24: {  	s3 =	sadd.s32 $0x88, s3;
	s6 =	simm.s32 @!p1 $0x1082;
	[sflag:s4] =	ssyncset.s32 $0xFFFFF086  }
0x25: {  	[simem:s6], [sflag:s4] =	dma.local [hbm:s3], $0xF7A  }
0x26: {  	[smem:$0x3F9D] =	sst s1;
	(tag) =	ssettag s2;
	_ =	strace s9  }
0x27: {  	s1 =	sld [smem:$0x3FAD]  }
0x28: {  	s2 =	sld [smem:$0x3FAE]  }
0x29: {  	s4 =	sld [smem:$0x3FB0]  }
0x2a: {  	p0 =	seq.s32 s5, $0x0;
	s5 =	sld [smem:$0x3FB1]  }
0x2b: {  	s6 =	sld [smem:$0x3FB2]  }
0x2c: {  	s7 =	sld [smem:$0x3FB3]  }
0x2d: {  	s3 =	simm.s32 $0x108;
	s8 =	sld [smem:$0x3FB4]  }
0x2e: {  	s3 =	simm.s32 @!p0 $0x1082;
	s9 =	sld [smem:$0x3FB5]  }
0x2f: {  	lr =	sadd.s32 s0, s3;
	s0 =	sld [smem:$0x3FAC]  }
0x30: {  	s3 =	sld [smem:$0x3FAF]  }
0x31: {  	[smem:$0x3FB8] =	sst s10  }
0x32: {  	s10 =	sld [smem:$0x3FB6];
	_ =	sdelay $0x3  }
0x33: {  	p0 =	seq.s32 s10, $0x1;
	s10 =	sld [smem:$0x3FB8];
	_ =	sdelay $0x3  }
0x34: {  	[smem:$0x3FB8] =	sst s10  }
0x35: {  	s10 =	sld [smem:$0x3FB7];
	_ =	sdelay $0x3  }
0x36: {  	p1 =	seq.s32 s10, $0x1;
	s10 =	sld [smem:$0x3FB8];
	_ =	sdelay $0x3  }
0x37: {  	[smem:$0x3FB8] =	sst s10  }
0x38: {  	s10 =	sld [smem:$0x3FB9]  }
0x39: {  	_ = 	snop;
	(pc) =	sbr.ind lr, $3  }
0x3a: {  	_ = 	snop  }
0x3b: {  	_ = 	snop  }
0x3c: {  	p2 =	seq.s32 s10, $0x1;
	s10 =	sld [smem:$0x3FB8]  }
0x3d: {  	_ =	shalt  }
0x3e: {  	_ =	shalt  }
0x3f: {  	_ =	shalt  }
0x40: {  	_ =	shalt  }
0x41: {  	_ =	shalt  }
0x42: {  	_ =	shalt  }
0x43: {  	_ =	shalt  }
0x44: {  	_ =	shalt  }
0x45: {  	_ =	shalt  }
0x46: {  	_ =	shalt  }
0x47: {  	_ =	shalt  }
0x48: {  	_ =	shalt  }
0x49: {  	_ =	shalt  }
0x4a: {  	_ =	shalt  }
0x4b: {  	_ =	shalt  }
0x4c: {  	_ =	shalt  }
0x4d: {  	_ =	shalt  }
0x4e: {  	_ =	shalt  }
0x4f: {  	_ =	shalt  }
0x50: {  	_ =	shalt  }
0x51: {  	_ =	shalt  }
0x52: {  	_ =	shalt  }
0x53: {  	_ =	shalt  }
0x54: {  	_ =	shalt  }
0x55: {  	_ =	shalt  }
0x56: {  	_ =	shalt  }
0x57: {  	_ =	shalt  }
0x58: {  	_ =	shalt  }
0x59: {  	_ =	shalt  }
0x5a: {  	_ =	shalt  }
0x5b: {  	_ =	shalt  }
0x5c: {  	_ =	shalt  }
0x5d: {  	_ =	shalt  }
0x5e: {  	_ =	shalt  }
0x5f: {  	_ =	shalt  }
0x60: {  	_ =	shalt  }
0x61: {  	_ =	shalt  }
0x62: {  	_ =	shalt  }
0x63: {  	_ =	shalt  }
0x64: {  	_ =	shalt  }
0x65: {  	_ =	shalt  }
0x66: {  	_ =	shalt  }
0x67: {  	_ =	shalt  }
0x68: {  	_ =	shalt  }
0x69: {  	_ =	shalt  }
0x6a: {  	_ =	shalt  }
0x6b: {  	_ =	shalt  }
0x6c: {  	_ =	shalt  }
0x6d: {  	_ =	shalt  }
0x6e: {  	_ =	shalt  }
0x6f: {  	_ =	shalt  }
0x70: {  	_ =	shalt  }
0x71: {  	_ =	shalt  }
0x72: {  	_ =	shalt  }
0x73: {  	_ =	shalt  }
0x74: {  	_ =	shalt  }
0x75: {  	_ =	shalt  }
0x76: {  	_ =	shalt  }
0x77: {  	_ =	shalt  }
0x78: {  	_ =	shalt  }
0x79: {  	_ =	shalt  }
0x7a: {  	_ =	shalt  }
0x7b: {  	_ =	shalt  }
0x7c: {  	_ =	shalt  }
0x7d: {  	_ =	shalt  }
0x7e: {  	_ =	shalt  }
0x7f: {  	_ =	shalt  }
0x80: {  	_ =	shalt  }
0x81: {  	_ =	shalt  }
0x82: {  	_ =	shalt  }
0x83: {  	_ =	shalt  }
0x84: {  	_ =	shalt  }
0x85: {  	_ =	shalt  }
0x86: {  	_ =	shalt  }
0x87: {  	_ =	shalt  }
.Lfunc_end0:
.L_simem_size_0:
called_computation_lowered:
.L_overlay_start_0:
0x88: {  	s2 =	sld [smem:$0x3FD9]  }
0x89: {  	s3 =	sld [smem:$0x3FFE];
	_ =	sdelay $0x1  }
0x8a: {  	s1 =	srdreg.scid  }
0x8b: {  	s0 =	sand.u32 $0x1, s1  }
0x8c: {  	s17 =	sshll.u32 s0, $0xA;
	s2 =	sadd.s32 s3, s2  }
0x8d: {  	s2 =	sadd.s32 s2, s17  }
0x8e: {  	[smem:$0x3FC4] =	sst s2  }
0x8f: {  	_ = 	snop  }
0x90: {  	s2 =	sld [smem:$0x3FC9]  }
0x91: {  	s18 =	sld [smem:$0x3FC8]  }
0x92: {  	s4 =	sld [smem:$0x3FD0];
	(tm) =	ssettm $0x1  }
0x93: {  	s5 =	sld [smem:$0x3FFB];
	_ =	sdelay $0x3  }
0x94: {  	_ =	strace s5  }
0x95: {  	s5 =	sld [smem:$0x3FFC];
	_ =	sdelay $0x3  }
0x96: {  	_ =	strace s5  }
0x97: {  	s5 =	sld [smem:$0x3FFD];
	_ =	sdelay $0x3  }
0x98: {  	_ =	strace s5  }
0x99: {  	_ =	strace $0x8FFFFFFF  }
0x9a: {  	s19 =	sld [smem:$0x3FDB];
	_ =	sdelay $0x1  }
0x9b: {  	s6 =	simm.s32 $_scs_section_size  }
0x9c: {  	s7 =	simm.s32 $_size__tile_overlayer_lowered;
	s8 =	simm.s32 $_tile_overlayer_lowered  }
0x9d: {  	s22 =	simm.s32 $0x1BFF;
	s21 =	sshll.u32 s8, $0x1;
	s5 =	sadd.s32 s6, s19  }
0x9e: {  	s9 =	simm.s32 $0x0;
	s20 =	sshll.u32 s7, $0x1;
	s7 =	sadd.s32 s21, s5  }
0x9f: {  	[timem:s9], [sflag:s22] =	dma.local [hbm:s7], s20  }
0xa0: {  	_ =	swait.ge [sflag:s22], s20  }
0xa1: {  	s6 =	ssub.s32 $0x0, s20;
	[sflag:s22] =	ssyncset.done $0x0  }
0xa2: {  	[sflag:s22] =	ssyncadd.s32 s6;
	_ =	sdelay $0x1  }
0xa3: {  	s23 =	simm.s32 $0x1B8B  }
0xa4: {  	_ =	swait.ge [sflag:s23], $0x1  }
0xa5: {  	[sflag:s23] =	ssyncset.done $0x0  }
0xa6: {  	s25 =	simm.s32 $0x1B8E;
	s24 =	sld [smem:$0x3FFE];
	[sflag:s23] =	ssyncadd.s32 $0xFFFFFFFF  }
0xa7: {  	s26 =	simm.s32 $execute0_lowered;
	[smem:$0x3FD2] =	sst s25  }
0xa8: {  	s7 =	sshll.u32 s26, $0x1;
	_ =	strace $0x80000046;
	[dreg:$0x1] =	wrdreg $0xFFFFFFFF  }
0xa9: {  	s28 =	simm.s32 $_size_execute0_lowered;
	s5 =	sadd.s32 s5, s7;
	[dreg:$0x0] =	wrdreg $0x0  }
0xaa: {  	s7 =	sshll.u32 s28, $0x1;
	[dreg:$0x2] =	wrdreg s5  }
0xab: {  	[dreg:$0x3] =	wrdreg s7  }
0xac: {  	[dreg:$0x4] =	wrdreg $0xC0  }
0xad: {  	_ =	task [dreg:s9], $0x5FFFF  }
0xae: {  	[dreg:$0x1] =	wrdreg $0xFFFFFFFF  }
0xaf: {  	[dreg:$0x0] =	wrdreg $0x60  }
0xb0: {  	[dreg:$0x2] =	wrdreg s2  }
0xb1: {  	[dreg:$0x3] =	wrdreg s18  }
0xb2: {  	[dreg:$0x4] =	wrdreg s24  }
0xb3: {  	[dreg:$0x5] =	wrdreg s4  }
0xb4: {  	[dreg:$0x6] =	wrdreg $0x9  }
0xb5: {  	_ =	task.clear_ibuf [dreg:s9], $0x7FFFF;
	_ =	strace $0x90000046  }
0xb6: {  	s29 =	simm.s32 $0x9;
	_ =	strace $0x80000048  }
0xb7: {  	_ =	swait.ge [sflag:s29], $0x1  }
0xb8: {  	[sflag:s29] =	ssyncadd.s32 $0xFFFFFFFF  }
0xb9: {  	_ =	strace $0x90000048  }
0xba: {  	_ =	sfence  }
0xbb: {  	s30 =	sld [smem:$0x0];
	_ =	sdelay $0x2  }
0xbc: {  	s31 =	sshll.u32 s1, $0xD;
	s1 =	sshrl.u32 s1, $0x2  }
0xbd: {  	s3 =	sand.u32 $0x4000, s31;
	s1 =	sadd.s32 s1, s30  }
0xbe: {  	s0 =	sor.u32 s3, s0;
	s1 =	sshll.u32 s1, $0x11  }
0xbf: {  	s0 =	sor.u32 s1, s0  }
0xc0: {  	s0 =	sadd.s32 $0x8F2B, s0  }
0xc1: {  	[sflag:s0] =	ssyncadd.remote.s32 $0x1  }
0xc2: {  	_ =	sfence.sel $0xFFFF  }
0xc3: {  	[dreg:$0x0] =	wrdreg $0xFFFFFFFF;
	(pc) =	sbr.abs _section_cstart, $3  }
0xc4: {  	[dreg:$0x1] =	wrdreg $0xFFFFFFFF  }
0xc5: {  	_ =	task.clear_ibuf [dreg:s9], $0x2FFFF;
	_ =	strace $0x9FFFFFFF  }
0xc6: {  	(tm) =	ssettm $0x7FFFFFFF  }
0xc7: {  	_ =	shalt  }
tec
execute0_lowered:
.L_overlay_start_1:
0x0: {  	(tag) =	ssettag $0x1  }
0x1: {  	s5 =	rddreg [dreg:$0x0]  }
0x2: {  	s6 =	rddreg [dreg:$0x1]  }
0x3: {  	s4 =	rddreg [dreg:$0x2]  }
0x4: {  	s7 =	rddreg [dreg:$0x3]  }
0x5: {  	s0 =	rddreg [dreg:$0x4];
	s1 =	simm.s32 $0x0;
	s2 =	srdreg.scid  }
0x6: {  	s12 =	simm.s32 $0x800;
	s13 =	simm.s32 $0x4800;
	s14 =	simm.s32 $0x1  }
0x7: {  	s15 =	simm.s32 $0x8800;
	s16 =	simm.s32 $0x0;
	[smem:$0x7FF] =	sst s1  }
0x8: {  	s8 =	sand.u32 $0x1, s2;
	s3 =	sadd.s32 $0x400, s4;
	s2 =	stileid.u32  }
0x9: {  	s4 =	sadd.s32 $0x7C0400, s4;
	_ =	strace $0x80000047;
	s9 =	ssub.s32 $0x2, s8  }
0xa: {  	s11 =	sshll.u32 s2, $0x7;
	s8 =	sshll.u32 s8, $0x6;
	s10 =	sshrl.u32 s9, $0x1  }
0xb: {  	s8 =	sor.u32 s8, s11;
	s11 =	simm.s32 $0x80;
	s9 =	ssub.s32 s9, s10  }
0xc: {  	v0 =	vlaneseq.u32;
	s5 =	sadd.s32 s5, s8;
	s6 =	sadd.s32 s6, s8;
	s7 =	sadd.s32 s7, s8  }
0xd: {  	v0 =	vmul.u32 $0x80, v0;
	s10 =	simm.s32 $0x400;
	s8 =	smax.u32 s9, $0x1;
	s9 =	simm.s32 $0x2  }
.LBB2_1:
0xe: {  	[tilespmem:s1], [sflag:$0x2] =	stream.linear.gather [hbm4b:s5+s1], $0x200, $0x38;
	[tilespmem:$0x8A00] =	vst v63  }
0xf: {  	_ =	swait.ge [sflag:s9], $0x200  }
0x10: {  	[sflag:s9] =	ssyncset.done $0x0  }
0x11: {  	[sflag:s9] =	ssyncadd.s32 $0xFFFFFE00  }
0x12: {  	[tilespmem:s10], [sflag:$0x2] =	stream.linear.gather [hbm4b:s6+s1], $0x200, $0x38;
	[tilespmem:$0x8A00] =	vst v63  }
0x13: {  	_ =	swait.ge [sflag:s9], $0x200  }
0x14: {  	[sflag:s9] =	ssyncset.done $0x0  }
0x15: {  	s19 =	simm.s32 $0x0;
	[sflag:s9] =	ssyncadd.s32 $0xFFFFFE00  }
0x16: {  	v1 =	vld [tilespmem:s19+$0x400]  }
0x17: {  	v2 =	vld [tilespmem:s19+$0x0];
	_ =	sdelay $0x1  }
0x18: {  	s17 =	simm.s32 $0x40  }
.LBB2_2:
0x19: {  	p0 =	sne.s32 s17, $0x7C0  }
.Ltmp0:
0x1a: {  	s18 =	sshra.s32 s17, $0x2;
	s17 =	sadd.s32 $0x40, s17;
	v3 =	vshrl.u32 v1, $0x1;
	(pc) =	sbr.rel @p0 .LBB2_2-.Ltmp0, $4  }
0x1b: {  	v5 =	vand.u32 $0x3FFF, v1;
	v4 =	vshrl.u32 v2, $0x1;
	v3 =	vand.u32 $0x7FFFC000, v3;
	v1 =	vld [tilespmem:s18+$0x400]  }
0x1c: {  	v6 =	vand.u32 $0x3FFF, v2;
	v4 =	vand.u32 $0x7FFFC000, v4;
	v2 =	vld [tilespmem:s18+$0x0];
	v3 =	vor.u32 v5, v3  }
0x1d: {  	v4 =	vor.u32 v6, v4;
	[tilespmem:s19+$0x600] =	vst v3  }
0x1e: {  	[tilespmem:s19+$0x200] =	vst v4;
	s19 =	smov.u32 s18  }
0x1f: {  	_ = 	snop  }
0x20: {  	v3 =	vshrl.u32 v1, $0x1  }
0x21: {  	v1 =	vand.u32 $0x3FFF, v1;
	v4 =	vshrl.u32 v2, $0x1;
	v3 =	vand.u32 $0x7FFFC000, v3  }
0x22: {  	v2 =	vand.u32 $0x3FFF, v2;
	v4 =	vand.u32 $0x7FFFC000, v4;
	v1 =	vor.u32 v1, v3  }
0x23: {  	s17 =	simm.s32 $0x0;
	s18 =	simm.s32 $0x400;
	v2 =	vor.u32 v2, v4;
	[tilespmem:s19+$0x600] =	vst v1  }
0x24: {  	s20 =	simm.s32 $0x0;
	s21 =	simm.s32 $0x0;
	[tilespmem:s19+$0x200] =	vst v2;
	s19 =	simm.s32 $0x8800  }
.LBB2_4:
0x25: {  	s22 =	sshll.u32 s21, $0x7  }
0x26: {  	s23 =	sadd.s32 $0x200, s22  }
0x27: {  	[tilespmem:s12], [sflag:$0x1] =	stream.indirect.gather [hbm4b:s3+s11], $0x80, s23, s11, $0xb8;
	[tilespmem:$0x8A00] =	vst v63  }
0x28: {  	s22 =	sadd.s32 $0x600, s22  }
0x29: {  	[tilespmem:s13], [sflag:$0x1] =	stream.indirect.gather [hbm4b:s4+s11], $0x80, s22, s11, $0xb8;
	[tilespmem:$0x8A00] =	vst v63  }
0x2a: {  	_ =	swait.ge [sflag:s14], $0x4000  }
0x2b: {  	[sflag:s14] =	ssyncset.done $0x0  }
0x2c: {  	[sflag:s14] =	ssyncadd.s32 $0xFFFFC000  }
0x2d: {  	_ =	swait.ge [sflag:s14], $0x4000  }
0x2e: {  	[sflag:s14] =	ssyncset.done $0x0  }
0x2f: {  	[sflag:s14] =	ssyncadd.s32 $0xFFFFC000  }
0x30: {  	v1 =	vld [tilespmem:s20+$0x0]  }
0x31: {  	v2 =	vld [tilespmem:s18+$0x0];
	_ =	sdelay $0x2  }
0x32: {  	v3 =	vmov s17  }
0x33: {  	v3 =	vshll.u32 v3, $0x7;
	v1 =	vshrl.u32 v1, $0x8  }
0x34: {  	v3 =	vor.u32 v0, v3;
	v2 =	vshrl.u32 v2, $0x8;
	v1 =	vand.u32 $0x40, v1  }
0x35: {  	v4 =	vand.u32 $0x40, v2;
	v2 =	vor.u32 v3, v1  }
0x36: {  	v1 =	vor.u32 v3, v4  }
0x37: {  	v3 =	vor.u32 $0x1, v2  }
0x38: {  	v4 =	vor.u32 $0x1, v1  }
0x39: {  	v5 =	vor.u32 $0x2, v2  }
0x3a: {  	v7 =	vor.u32 $0x2, v1;
	v6 =	vld.idx.msk [tilespmem:v2+s12+$0x0], $0xffff  }
0x3b: {  	v9 =	vor.u32 $0x3, v2;
	v8 =	vld.idx.msk [tilespmem:v1+s13+$0x0], $0xffff  }
0x3c: {  	v10 =	vor.u32 $0x3, v1;
	v3 =	vld.idx.msk [tilespmem:v3+s12+$0x0], $0xffff  }
0x3d: {  	v11 =	vor.u32 $0x4, v2;
	v4 =	vld.idx.msk [tilespmem:v4+s13+$0x0], $0xffff  }
0x3e: {  	v12 =	vor.u32 $0x4, v1;
	v5 =	vld.idx.msk [tilespmem:v5+s12+$0x0], $0xffff  }
0x3f: {  	v13 =	vor.u32 $0x5, v2;
	v7 =	vld.idx.msk [tilespmem:v7+s13+$0x0], $0xffff  }
0x40: {  	v14 =	vor.u32 $0x5, v1;
	v9 =	vld.idx.msk [tilespmem:v9+s12+$0x0], $0xffff;
	v6 =	vmul.f32 v8, v6  }
0x41: {  	v53 =	vor.u32 $0x6, v2;
	v52 =	vld.idx.msk [tilespmem:v10+s13+$0x0], $0xffff  }
0x42: {  	v15 =	vor.u32 $0x6, v1;
	v11 =	vld.idx.msk [tilespmem:v11+s12+$0x0], $0xffff;
	v3 =	vmul.f32 v4, v3;
	v6 =	vadd.f32 $0.0e+00, v6  }
0x43: {  	v55 =	vor.u32 $0x7, v2;
	v54 =	vld.idx.msk [tilespmem:v12+s13+$0x0], $0xffff  }
0x44: {  	v16 =	vor.u32 $0x7, v1;
	v13 =	vld.idx.msk [tilespmem:v13+s12+$0x0], $0xffff;
	v5 =	vmul.f32 v7, v5;
	v3 =	vadd.f32 v3, v6  }
0x45: {  	v58 =	vor.u32 $0x8, v1;
	v56 =	vld.idx.msk [tilespmem:v14+s13+$0x0], $0xffff  }
0x46: {  	v57 =	vor.u32 $0x8, v2;
	v10 =	vld.idx.msk [tilespmem:v53+s12+$0x0], $0xffff;
	v59 =	vmul.f32 v52, v9;
	v3 =	vadd.f32 v5, v3  }
0x47: {  	v62 =	vor.u32 $0x9, v1;
	v60 =	vld.idx.msk [tilespmem:v15+s13+$0x0], $0xffff  }
0x48: {  	v61 =	vor.u32 $0x9, v2;
	v12 =	vld.idx.msk [tilespmem:v55+s12+$0x0], $0xffff;
	v4 =	vmul.f32 v54, v11;
	v3 =	vadd.f32 v59, v3  }
0x49: {  	v21 =	vor.u32 $0xA, v1;
	v63 =	vld.idx.msk [tilespmem:v16+s13+$0x0], $0xffff  }
0x4a: {  	v20 =	vor.u32 $0xA, v2;
	v23 =	vld.idx.msk [tilespmem:v58+s13+$0x0], $0xffff;
	v22 =	vmul.f32 v56, v13;
	v3 =	vadd.f32 v4, v3  }
0x4b: {  	v25 =	vor.u32 $0xB, v1;
	v7 =	vld.idx.msk [tilespmem:v57+s12+$0x0], $0xffff  }
0x4c: {  	v24 =	vor.u32 $0xB, v2;
	v27 =	vld.idx.msk [tilespmem:v62+s13+$0x0], $0xffff;
	v26 =	vmul.f32 v60, v10;
	v3 =	vadd.f32 v22, v3  }
0x4d: {  	v29 =	vor.u32 $0xC, v1;
	v9 =	vld.idx.msk [tilespmem:v61+s12+$0x0], $0xffff  }
0x4e: {  	v28 =	vor.u32 $0xC, v2;
	v31 =	vld.idx.msk [tilespmem:v21+s13+$0x0], $0xffff;
	v30 =	vmul.f32 v63, v12;
	v3 =	vadd.f32 v26, v3  }
0x4f: {  	v33 =	vor.u32 $0xD, v1;
	v11 =	vld.idx.msk [tilespmem:v20+s12+$0x0], $0xffff  }
0x50: {  	v32 =	vor.u32 $0xD, v2;
	v35 =	vld.idx.msk [tilespmem:v25+s13+$0x0], $0xffff;
	v34 =	vmul.f32 v23, v7;
	v3 =	vadd.f32 v30, v3  }
0x51: {  	v37 =	vor.u32 $0xE, v1;
	v13 =	vld.idx.msk [tilespmem:v24+s12+$0x0], $0xffff  }
0x52: {  	v36 =	vor.u32 $0xE, v2;
	v39 =	vld.idx.msk [tilespmem:v29+s13+$0x0], $0xffff;
	v38 =	vmul.f32 v27, v9;
	v3 =	vadd.f32 v34, v3  }
0x53: {  	v41 =	vor.u32 $0xF, v1;
	v10 =	vld.idx.msk [tilespmem:v28+s12+$0x0], $0xffff  }
0x54: {  	v40 =	vor.u32 $0xF, v2;
	v43 =	vld.idx.msk [tilespmem:v33+s13+$0x0], $0xffff;
	v42 =	vmul.f32 v31, v11;
	v3 =	vadd.f32 v38, v3  }
0x55: {  	v45 =	vor.u32 $0x10, v1;
	v12 =	vld.idx.msk [tilespmem:v32+s12+$0x0], $0xffff  }
0x56: {  	v44 =	vor.u32 $0x10, v2;
	v47 =	vld.idx.msk [tilespmem:v37+s13+$0x0], $0xffff;
	v46 =	vmul.f32 v35, v13;
	v3 =	vadd.f32 v42, v3  }
0x57: {  	v48 =	vor.u32 $0x11, v2;
	v7 =	vld.idx.msk [tilespmem:v36+s12+$0x0], $0xffff  }
0x58: {  	v49 =	vor.u32 $0x11, v1;
	v51 =	vld.idx.msk [tilespmem:v41+s13+$0x0], $0xffff;
	v50 =	vmul.f32 v39, v10;
	v3 =	vadd.f32 v46, v3  }
0x59: {  	v53 =	vor.u32 $0x12, v1;
	v9 =	vld.idx.msk [tilespmem:v40+s12+$0x0], $0xffff  }
0x5a: {  	v55 =	vld.idx.msk [tilespmem:v45+s13+$0x0], $0xffff;
	v52 =	vor.u32 $0x12, v2;
	v54 =	vmul.f32 v43, v12;
	v3 =	vadd.f32 v50, v3  }
0x5b: {  	v56 =	vor.u32 $0x13, v2;
	v11 =	vld.idx.msk [tilespmem:v44+s12+$0x0], $0xffff  }
0x5c: {  	v57 =	vor.u32 $0x13, v1;
	v13 =	vld.idx.msk [tilespmem:v48+s12+$0x0], $0xffff;
	v58 =	vmul.f32 v47, v7;
	v3 =	vadd.f32 v54, v3  }
0x5d: {  	v61 =	vor.u32 $0x14, v1;
	v59 =	vld.idx.msk [tilespmem:v49+s13+$0x0], $0xffff  }
0x5e: {  	v60 =	vor.u32 $0x14, v2;
	v63 =	vld.idx.msk [tilespmem:v53+s13+$0x0], $0xffff;
	v62 =	vmul.f32 v51, v9;
	v3 =	vadd.f32 v58, v3  }
0x5f: {  	v21 =	vor.u32 $0x15, v1;
	v10 =	vld.idx.msk [tilespmem:v52+s12+$0x0], $0xffff  }
0x60: {  	v20 =	vor.u32 $0x15, v2;
	v12 =	vld.idx.msk [tilespmem:v56+s12+$0x0], $0xffff;
	v22 =	vmul.f32 v55, v11;
	v3 =	vadd.f32 v62, v3  }
0x61: {  	v25 =	vor.u32 $0x16, v1;
	v23 =	vld.idx.msk [tilespmem:v57+s13+$0x0], $0xffff  }
0x62: {  	v24 =	vor.u32 $0x16, v2;
	v27 =	vld.idx.msk [tilespmem:v61+s13+$0x0], $0xffff;
	v26 =	vmul.f32 v59, v13;
	v3 =	vadd.f32 v22, v3  }
0x63: {  	v29 =	vor.u32 $0x17, v1;
	v7 =	vld.idx.msk [tilespmem:v60+s12+$0x0], $0xffff  }
0x64: {  	v28 =	vor.u32 $0x17, v2;
	v31 =	vld.idx.msk [tilespmem:v21+s13+$0x0], $0xffff;
	v30 =	vmul.f32 v63, v10;
	v3 =	vadd.f32 v26, v3  }
0x65: {  	v33 =	vor.u32 $0x18, v1;
	v9 =	vld.idx.msk [tilespmem:v20+s12+$0x0], $0xffff  }
0x66: {  	v32 =	vor.u32 $0x18, v2;
	v35 =	vld.idx.msk [tilespmem:v25+s13+$0x0], $0xffff;
	v34 =	vmul.f32 v23, v12;
	v3 =	vadd.f32 v30, v3  }
0x67: {  	v37 =	vor.u32 $0x19, v1;
	v11 =	vld.idx.msk [tilespmem:v24+s12+$0x0], $0xffff  }
0x68: {  	v36 =	vor.u32 $0x19, v2;
	v39 =	vld.idx.msk [tilespmem:v29+s13+$0x0], $0xffff;
	v38 =	vmul.f32 v27, v7;
	v3 =	vadd.f32 v34, v3  }
0x69: {  	v41 =	vor.u32 $0x1A, v1;
	v13 =	vld.idx.msk [tilespmem:v28+s12+$0x0], $0xffff  }
0x6a: {  	v40 =	vor.u32 $0x1A, v2;
	v43 =	vld.idx.msk [tilespmem:v33+s13+$0x0], $0xffff;
	v42 =	vmul.f32 v31, v9;
	v3 =	vadd.f32 v38, v3  }
0x6b: {  	v45 =	vor.u32 $0x1B, v1;
	v10 =	vld.idx.msk [tilespmem:v32+s12+$0x0], $0xffff  }
0x6c: {  	v44 =	vor.u32 $0x1B, v2;
	v47 =	vld.idx.msk [tilespmem:v37+s13+$0x0], $0xffff;
	v46 =	vmul.f32 v35, v11;
	v3 =	vadd.f32 v42, v3  }
0x6d: {  	v49 =	vor.u32 $0x1C, v1;
	v12 =	vld.idx.msk [tilespmem:v36+s12+$0x0], $0xffff  }
0x6e: {  	v48 =	vor.u32 $0x1C, v2;
	v51 =	vld.idx.msk [tilespmem:v41+s13+$0x0], $0xffff;
	v50 =	vmul.f32 v39, v13;
	v3 =	vadd.f32 v46, v3  }
0x6f: {  	v53 =	vor.u32 $0x1D, v1;
	v7 =	vld.idx.msk [tilespmem:v40+s12+$0x0], $0xffff  }
0x70: {  	v52 =	vor.u32 $0x1D, v2;
	v55 =	vld.idx.msk [tilespmem:v45+s13+$0x0], $0xffff;
	v54 =	vmul.f32 v43, v10;
	v3 =	vadd.f32 v50, v3  }
0x71: {  	v57 =	vor.u32 $0x1E, v1;
	v9 =	vld.idx.msk [tilespmem:v44+s12+$0x0], $0xffff  }
0x72: {  	v56 =	vor.u32 $0x1E, v2;
	v59 =	vld.idx.msk [tilespmem:v49+s13+$0x0], $0xffff;
	v58 =	vmul.f32 v47, v12;
	v3 =	vadd.f32 v54, v3  }
0x73: {  	v61 =	vor.u32 $0x1F, v1;
	v11 =	vld.idx.msk [tilespmem:v48+s12+$0x0], $0xffff  }
0x74: {  	v60 =	vor.u32 $0x1F, v2;
	v63 =	vld.idx.msk [tilespmem:v53+s13+$0x0], $0xffff;
	v62 =	vmul.f32 v51, v7;
	v3 =	vadd.f32 v58, v3  }
0x75: {  	v21 =	vor.u32 $0x20, v1;
	v13 =	vld.idx.msk [tilespmem:v52+s12+$0x0], $0xffff  }
0x76: {  	v20 =	vor.u32 $0x20, v2;
	v23 =	vld.idx.msk [tilespmem:v57+s13+$0x0], $0xffff;
	v22 =	vmul.f32 v55, v9;
	v3 =	vadd.f32 v62, v3  }
0x77: {  	v25 =	vor.u32 $0x21, v1;
	v10 =	vld.idx.msk [tilespmem:v56+s12+$0x0], $0xffff  }
0x78: {  	v24 =	vor.u32 $0x21, v2;
	v27 =	vld.idx.msk [tilespmem:v61+s13+$0x0], $0xffff;
	v26 =	vmul.f32 v59, v11;
	v3 =	vadd.f32 v22, v3  }
0x79: {  	v29 =	vor.u32 $0x22, v1;
	v12 =	vld.idx.msk [tilespmem:v60+s12+$0x0], $0xffff  }
0x7a: {  	v28 =	vor.u32 $0x22, v2;
	v31 =	vld.idx.msk [tilespmem:v21+s13+$0x0], $0xffff;
	v30 =	vmul.f32 v63, v13;
	v3 =	vadd.f32 v26, v3  }
0x7b: {  	v33 =	vor.u32 $0x23, v1;
	v7 =	vld.idx.msk [tilespmem:v20+s12+$0x0], $0xffff  }
0x7c: {  	v32 =	vor.u32 $0x23, v2;
	v35 =	vld.idx.msk [tilespmem:v25+s13+$0x0], $0xffff;
	v34 =	vmul.f32 v23, v10;
	v3 =	vadd.f32 v30, v3  }
0x7d: {  	v37 =	vor.u32 $0x24, v1;
	v9 =	vld.idx.msk [tilespmem:v24+s12+$0x0], $0xffff  }
0x7e: {  	v36 =	vor.u32 $0x24, v2;
	v39 =	vld.idx.msk [tilespmem:v29+s13+$0x0], $0xffff;
	v38 =	vmul.f32 v27, v12;
	v3 =	vadd.f32 v34, v3  }
0x7f: {  	v41 =	vor.u32 $0x25, v1;
	v11 =	vld.idx.msk [tilespmem:v28+s12+$0x0], $0xffff  }
0x80: {  	v40 =	vor.u32 $0x25, v2;
	v43 =	vld.idx.msk [tilespmem:v33+s13+$0x0], $0xffff;
	v42 =	vmul.f32 v31, v7;
	v3 =	vadd.f32 v38, v3  }
0x81: {  	v45 =	vor.u32 $0x26, v1;
	v13 =	vld.idx.msk [tilespmem:v32+s12+$0x0], $0xffff  }
0x82: {  	v44 =	vor.u32 $0x26, v2;
	v47 =	vld.idx.msk [tilespmem:v37+s13+$0x0], $0xffff;
	v46 =	vmul.f32 v35, v9;
	v3 =	vadd.f32 v42, v3  }
0x83: {  	v49 =	vor.u32 $0x27, v1;
	v10 =	vld.idx.msk [tilespmem:v36+s12+$0x0], $0xffff  }
0x84: {  	v48 =	vor.u32 $0x27, v2;
	v51 =	vld.idx.msk [tilespmem:v41+s13+$0x0], $0xffff;
	v50 =	vmul.f32 v39, v11;
	v3 =	vadd.f32 v46, v3  }
0x85: {  	v53 =	vor.u32 $0x28, v1;
	v12 =	vld.idx.msk [tilespmem:v40+s12+$0x0], $0xffff  }
0x86: {  	v52 =	vor.u32 $0x28, v2;
	v55 =	vld.idx.msk [tilespmem:v45+s13+$0x0], $0xffff;
	v54 =	vmul.f32 v43, v13;
	v3 =	vadd.f32 v50, v3  }
0x87: {  	v57 =	vor.u32 $0x29, v1;
	v7 =	vld.idx.msk [tilespmem:v44+s12+$0x0], $0xffff  }
0x88: {  	v56 =	vor.u32 $0x29, v2;
	v59 =	vld.idx.msk [tilespmem:v49+s13+$0x0], $0xffff;
	v58 =	vmul.f32 v47, v10;
	v3 =	vadd.f32 v54, v3  }
0x89: {  	v61 =	vor.u32 $0x2A, v1;
	v9 =	vld.idx.msk [tilespmem:v48+s12+$0x0], $0xffff  }
0x8a: {  	v60 =	vor.u32 $0x2A, v2;
	v63 =	vld.idx.msk [tilespmem:v53+s13+$0x0], $0xffff;
	v62 =	vmul.f32 v51, v12;
	v3 =	vadd.f32 v58, v3  }
0x8b: {  	v21 =	vor.u32 $0x2B, v1;
	v11 =	vld.idx.msk [tilespmem:v52+s12+$0x0], $0xffff  }
0x8c: {  	v20 =	vor.u32 $0x2B, v2;
	v23 =	vld.idx.msk [tilespmem:v57+s13+$0x0], $0xffff;
	v22 =	vmul.f32 v55, v7;
	v3 =	vadd.f32 v62, v3  }
0x8d: {  	v25 =	vor.u32 $0x2C, v1;
	v13 =	vld.idx.msk [tilespmem:v56+s12+$0x0], $0xffff  }
0x8e: {  	v24 =	vor.u32 $0x2C, v2;
	v27 =	vld.idx.msk [tilespmem:v61+s13+$0x0], $0xffff;
	v26 =	vmul.f32 v59, v9;
	v3 =	vadd.f32 v22, v3  }
0x8f: {  	v29 =	vor.u32 $0x2D, v1;
	v10 =	vld.idx.msk [tilespmem:v60+s12+$0x0], $0xffff  }
0x90: {  	v28 =	vor.u32 $0x2D, v2;
	v31 =	vld.idx.msk [tilespmem:v21+s13+$0x0], $0xffff;
	v30 =	vmul.f32 v63, v11;
	v3 =	vadd.f32 v26, v3  }
0x91: {  	v33 =	vor.u32 $0x2E, v1;
	v12 =	vld.idx.msk [tilespmem:v20+s12+$0x0], $0xffff  }
0x92: {  	v32 =	vor.u32 $0x2E, v2;
	v35 =	vld.idx.msk [tilespmem:v25+s13+$0x0], $0xffff;
	v34 =	vmul.f32 v23, v13;
	v3 =	vadd.f32 v30, v3  }
0x93: {  	v37 =	vor.u32 $0x2F, v1;
	v7 =	vld.idx.msk [tilespmem:v24+s12+$0x0], $0xffff  }
0x94: {  	v36 =	vor.u32 $0x2F, v2;
	v39 =	vld.idx.msk [tilespmem:v29+s13+$0x0], $0xffff;
	v38 =	vmul.f32 v27, v10;
	v3 =	vadd.f32 v34, v3  }
0x95: {  	v41 =	vor.u32 $0x30, v1;
	v9 =	vld.idx.msk [tilespmem:v28+s12+$0x0], $0xffff  }
0x96: {  	v40 =	vor.u32 $0x30, v2;
	v43 =	vld.idx.msk [tilespmem:v33+s13+$0x0], $0xffff;
	v42 =	vmul.f32 v31, v12;
	v3 =	vadd.f32 v38, v3  }
0x97: {  	v45 =	vor.u32 $0x31, v1;
	v11 =	vld.idx.msk [tilespmem:v32+s12+$0x0], $0xffff  }
0x98: {  	v44 =	vor.u32 $0x31, v2;
	v47 =	vld.idx.msk [tilespmem:v37+s13+$0x0], $0xffff;
	v46 =	vmul.f32 v35, v7;
	v3 =	vadd.f32 v42, v3  }
0x99: {  	v49 =	vor.u32 $0x32, v1;
	v13 =	vld.idx.msk [tilespmem:v36+s12+$0x0], $0xffff  }
0x9a: {  	v48 =	vor.u32 $0x32, v2;
	v51 =	vld.idx.msk [tilespmem:v41+s13+$0x0], $0xffff;
	v50 =	vmul.f32 v39, v9;
	v3 =	vadd.f32 v46, v3  }
0x9b: {  	v53 =	vor.u32 $0x33, v1;
	v10 =	vld.idx.msk [tilespmem:v40+s12+$0x0], $0xffff  }
0x9c: {  	v52 =	vor.u32 $0x33, v2;
	v55 =	vld.idx.msk [tilespmem:v45+s13+$0x0], $0xffff;
	v54 =	vmul.f32 v43, v11;
	v3 =	vadd.f32 v50, v3  }
0x9d: {  	v57 =	vor.u32 $0x34, v1;
	v12 =	vld.idx.msk [tilespmem:v44+s12+$0x0], $0xffff  }
0x9e: {  	v56 =	vor.u32 $0x34, v2;
	v59 =	vld.idx.msk [tilespmem:v49+s13+$0x0], $0xffff;
	v58 =	vmul.f32 v47, v13;
	v3 =	vadd.f32 v54, v3  }
0x9f: {  	v61 =	vor.u32 $0x35, v1;
	v7 =	vld.idx.msk [tilespmem:v48+s12+$0x0], $0xffff  }
0xa0: {  	v60 =	vor.u32 $0x35, v2;
	v63 =	vld.idx.msk [tilespmem:v53+s13+$0x0], $0xffff;
	v62 =	vmul.f32 v51, v10;
	v3 =	vadd.f32 v58, v3  }
0xa1: {  	v21 =	vor.u32 $0x36, v1;
	v9 =	vld.idx.msk [tilespmem:v52+s12+$0x0], $0xffff  }
0xa2: {  	v20 =	vor.u32 $0x36, v2;
	v23 =	vld.idx.msk [tilespmem:v57+s13+$0x0], $0xffff;
	v22 =	vmul.f32 v55, v12;
	v3 =	vadd.f32 v62, v3  }
0xa3: {  	v25 =	vor.u32 $0x37, v1;
	v11 =	vld.idx.msk [tilespmem:v56+s12+$0x0], $0xffff  }
0xa4: {  	v24 =	vor.u32 $0x37, v2;
	v27 =	vld.idx.msk [tilespmem:v61+s13+$0x0], $0xffff;
	v26 =	vmul.f32 v59, v7;
	v3 =	vadd.f32 v22, v3  }
0xa5: {  	v29 =	vor.u32 $0x38, v1;
	v13 =	vld.idx.msk [tilespmem:v60+s12+$0x0], $0xffff  }
0xa6: {  	v28 =	vor.u32 $0x38, v2;
	v31 =	vld.idx.msk [tilespmem:v21+s13+$0x0], $0xffff;
	v30 =	vmul.f32 v63, v9;
	v3 =	vadd.f32 v26, v3  }
0xa7: {  	v33 =	vor.u32 $0x39, v1;
	v10 =	vld.idx.msk [tilespmem:v20+s12+$0x0], $0xffff  }
0xa8: {  	v32 =	vor.u32 $0x39, v2;
	v35 =	vld.idx.msk [tilespmem:v25+s13+$0x0], $0xffff;
	v34 =	vmul.f32 v23, v11;
	v3 =	vadd.f32 v30, v3  }
0xa9: {  	v37 =	vor.u32 $0x3A, v1;
	v12 =	vld.idx.msk [tilespmem:v24+s12+$0x0], $0xffff  }
0xaa: {  	v36 =	vor.u32 $0x3A, v2;
	v39 =	vld.idx.msk [tilespmem:v29+s13+$0x0], $0xffff;
	v38 =	vmul.f32 v27, v13;
	v3 =	vadd.f32 v34, v3  }
0xab: {  	v41 =	vor.u32 $0x3B, v1;
	v7 =	vld.idx.msk [tilespmem:v28+s12+$0x0], $0xffff  }
0xac: {  	v40 =	vor.u32 $0x3B, v2;
	v43 =	vld.idx.msk [tilespmem:v33+s13+$0x0], $0xffff;
	v42 =	vmul.f32 v31, v10;
	v3 =	vadd.f32 v38, v3  }
0xad: {  	v45 =	vor.u32 $0x3C, v1;
	v9 =	vld.idx.msk [tilespmem:v32+s12+$0x0], $0xffff  }
0xae: {  	v44 =	vor.u32 $0x3C, v2;
	v47 =	vld.idx.msk [tilespmem:v37+s13+$0x0], $0xffff;
	v46 =	vmul.f32 v35, v12;
	v3 =	vadd.f32 v42, v3  }
0xaf: {  	v48 =	vor.u32 $0x3D, v2;
	v11 =	vld.idx.msk [tilespmem:v36+s12+$0x0], $0xffff  }
0xb0: {  	v49 =	vor.u32 $0x3D, v1;
	v51 =	vld.idx.msk [tilespmem:v41+s13+$0x0], $0xffff;
	v50 =	vmul.f32 v39, v7;
	v3 =	vadd.f32 v46, v3  }
0xb1: {  	v53 =	vor.u32 $0x3E, v1;
	v13 =	vld.idx.msk [tilespmem:v40+s12+$0x0], $0xffff  }
0xb2: {  	v52 =	vor.u32 $0x3E, v2;
	v55 =	vld.idx.msk [tilespmem:v45+s13+$0x0], $0xffff;
	v54 =	vmul.f32 v43, v9;
	v3 =	vadd.f32 v50, v3  }
0xb3: {  	v1 =	vor.u32 $0x3F, v1;
	v10 =	vld.idx.msk [tilespmem:v44+s12+$0x0], $0xffff  }
0xb4: {  	v2 =	vor.u32 $0x3F, v2;
	v56 =	vld.idx.msk [tilespmem:v48+s12+$0x0], $0xffff;
	v57 =	vmul.f32 v47, v11;
	v3 =	vadd.f32 v54, v3  }
0xb5: {  	v58 =	vld.idx.msk [tilespmem:v49+s13+$0x0], $0xffff  }
0xb6: {  	v60 =	vld.idx.msk [tilespmem:v53+s13+$0x0], $0xffff;
	v59 =	vmul.f32 v51, v13;
	v3 =	vadd.f32 v57, v3  }
0xb7: {  	v7 =	vld.idx.msk [tilespmem:v52+s12+$0x0], $0xffff  }
0xb8: {  	v1 =	vld.idx.msk [tilespmem:v1+s13+$0x0], $0xffff;
	v61 =	vmul.f32 v55, v10;
	v3 =	vadd.f32 v59, v3  }
0xb9: {  	v2 =	vld.idx.msk [tilespmem:v2+s12+$0x0], $0xffff  }
0xba: {  	v62 =	vmul.f32 v58, v56;
	v3 =	vadd.f32 v61, v3;
	_ =	sdelay $0x1  }
0xbb: {  	v63 =	vmul.f32 v60, v7;
	v3 =	vadd.f32 v62, v3;
	_ =	sdelay $0x1  }
0xbc: {  	v1 =	vmul.f32 v1, v2;
	v3 =	vadd.f32 v63, v3;
	_ =	sdelay $0x1  }
0xbd: {  	v1 =	vadd.f32 v1, v3;
	_ =	sdelay $0x1  }
0xbe: {  	s23 =	sadd.s32 $0x10, s20;
	[tilespmem:s19+$0x0] =	vst v1  }
0xbf: {  	s24 =	sadd.s32 $0x10, s18;
	v1 =	vld [tilespmem:s23+$0x0]  }
0xc0: {  	s25 =	simm.s32 $0x10;
	s26 =	simm.s32 $0x20;
	s22 =	smov.u32 s19;
	v2 =	vld [tilespmem:s24+$0x0]  }
.LBB2_5:
0xc1: {  	p0 =	sne.s32 s26, $0x70;
	_ =	sdelay $0x1  }
0xc2: {  	v3 =	vmov s25;
	s25 =	smov.u32 s26  }
0xc3: {  	v3 =	vshll.u32 v3, $0x7;
	v1 =	vshrl.u32 v1, $0x8  }
0xc4: {  	v3 =	vor.u32 v0, v3;
	v1 =	vand.u32 $0x40, v1;
	v2 =	vshrl.u32 v2, $0x8  }
0xc5: {  	v4 =	vand.u32 $0x40, v2;
	v2 =	vor.u32 v3, v1  }
0xc6: {  	v1 =	vor.u32 v3, v4  }
0xc7: {  	v3 =	vor.u32 $0x1, v2  }
0xc8: {  	v4 =	vor.u32 $0x1, v1  }
0xc9: {  	v5 =	vor.u32 $0x2, v2  }
0xca: {  	v7 =	vor.u32 $0x2, v1;
	v6 =	vld.idx.msk [tilespmem:v2+s12+$0x0], $0xffff  }
0xcb: {  	v9 =	vor.u32 $0x3, v2;
	v8 =	vld.idx.msk [tilespmem:v1+s13+$0x0], $0xffff  }
0xcc: {  	v10 =	vor.u32 $0x3, v1;
	v3 =	vld.idx.msk [tilespmem:v3+s12+$0x0], $0xffff  }
0xcd: {  	v11 =	vor.u32 $0x4, v2;
	v4 =	vld.idx.msk [tilespmem:v4+s13+$0x0], $0xffff  }
0xce: {  	v12 =	vor.u32 $0x4, v1;
	v5 =	vld.idx.msk [tilespmem:v5+s12+$0x0], $0xffff  }
0xcf: {  	v13 =	vor.u32 $0x5, v2;
	v7 =	vld.idx.msk [tilespmem:v7+s13+$0x0], $0xffff  }
0xd0: {  	v14 =	vor.u32 $0x5, v1;
	v9 =	vld.idx.msk [tilespmem:v9+s12+$0x0], $0xffff  }
0xd1: {  	v6 =	vmul.f32 v8, v6;
	v8 =	vld.idx.msk [tilespmem:v10+s13+$0x0], $0xffff;
	v10 =	vor.u32 $0x6, v2  }
0xd2: {  	v15 =	vor.u32 $0x6, v1;
	v11 =	vld.idx.msk [tilespmem:v11+s12+$0x0], $0xffff  }
0xd3: {  	v6 =	vadd.f32 $0.0e+00, v6;
	v3 =	vmul.f32 v4, v3;
	v4 =	vld.idx.msk [tilespmem:v12+s13+$0x0], $0xffff;
	v12 =	vor.u32 $0x7, v2  }
0xd4: {  	v16 =	vor.u32 $0x7, v1;
	v13 =	vld.idx.msk [tilespmem:v13+s12+$0x0], $0xffff  }
0xd5: {  	v3 =	vadd.f32 v3, v6;
	v5 =	vmul.f32 v7, v5;
	v7 =	vor.u32 $0x8, v2;
	v6 =	vld.idx.msk [tilespmem:v14+s13+$0x0], $0xffff  }
0xd6: {  	v14 =	vor.u32 $0x8, v1;
	v10 =	vld.idx.msk [tilespmem:v10+s12+$0x0], $0xffff  }
0xd7: {  	v3 =	vadd.f32 v5, v3;
	v5 =	vmul.f32 v8, v9;
	v9 =	vor.u32 $0x9, v2;
	v8 =	vld.idx.msk [tilespmem:v15+s13+$0x0], $0xffff  }
0xd8: {  	v15 =	vor.u32 $0x9, v1;
	v12 =	vld.idx.msk [tilespmem:v12+s12+$0x0], $0xffff  }
0xd9: {  	v3 =	vadd.f32 v5, v3;
	v4 =	vmul.f32 v4, v11;
	v11 =	vor.u32 $0xA, v2;
	v5 =	vld.idx.msk [tilespmem:v16+s13+$0x0], $0xffff  }
0xda: {  	v16 =	vor.u32 $0xA, v1;
	v7 =	vld.idx.msk [tilespmem:v7+s12+$0x0], $0xffff  }
0xdb: {  	v3 =	vadd.f32 v4, v3;
	v4 =	vmul.f32 v6, v13;
	v13 =	vor.u32 $0xB, v2;
	v6 =	vld.idx.msk [tilespmem:v14+s13+$0x0], $0xffff  }
0xdc: {  	v14 =	vor.u32 $0xB, v1;
	v9 =	vld.idx.msk [tilespmem:v9+s12+$0x0], $0xffff  }
0xdd: {  	v3 =	vadd.f32 v4, v3;
	v4 =	vmul.f32 v8, v10;
	v10 =	vor.u32 $0xC, v2;
	v8 =	vld.idx.msk [tilespmem:v15+s13+$0x0], $0xffff  }
0xde: {  	v15 =	vor.u32 $0xC, v1;
	v11 =	vld.idx.msk [tilespmem:v11+s12+$0x0], $0xffff  }
0xdf: {  	v3 =	vadd.f32 v4, v3;
	v4 =	vmul.f32 v5, v12;
	v12 =	vor.u32 $0xD, v2;
	v5 =	vld.idx.msk [tilespmem:v16+s13+$0x0], $0xffff  }
0xe0: {  	v16 =	vor.u32 $0xD, v1;
	v13 =	vld.idx.msk [tilespmem:v13+s12+$0x0], $0xffff  }
0xe1: {  	v3 =	vadd.f32 v4, v3;
	v4 =	vmul.f32 v6, v7;
	v7 =	vor.u32 $0xE, v2;
	v6 =	vld.idx.msk [tilespmem:v14+s13+$0x0], $0xffff  }
0xe2: {  	v14 =	vor.u32 $0xE, v1;
	v10 =	vld.idx.msk [tilespmem:v10+s12+$0x0], $0xffff  }
0xe3: {  	v3 =	vadd.f32 v4, v3;
	v4 =	vmul.f32 v8, v9;
	v9 =	vor.u32 $0xF, v2;
	v8 =	vld.idx.msk [tilespmem:v15+s13+$0x0], $0xffff  }
0xe4: {  	v15 =	vor.u32 $0xF, v1;
	v12 =	vld.idx.msk [tilespmem:v12+s12+$0x0], $0xffff  }
0xe5: {  	v3 =	vadd.f32 v4, v3;
	v4 =	vmul.f32 v5, v11;
	v11 =	vor.u32 $0x10, v2;
	v5 =	vld.idx.msk [tilespmem:v16+s13+$0x0], $0xffff  }
0xe6: {  	v16 =	vor.u32 $0x10, v1;
	v7 =	vld.idx.msk [tilespmem:v7+s12+$0x0], $0xffff  }
0xe7: {  	v3 =	vadd.f32 v4, v3;
	v4 =	vmul.f32 v6, v13;
	v13 =	vor.u32 $0x11, v2;
	v6 =	vld.idx.msk [tilespmem:v14+s13+$0x0], $0xffff  }
0xe8: {  	v14 =	vor.u32 $0x11, v1;
	v9 =	vld.idx.msk [tilespmem:v9+s12+$0x0], $0xffff  }
0xe9: {  	v3 =	vadd.f32 v4, v3;
	v4 =	vmul.f32 v8, v10;
	v10 =	vor.u32 $0x12, v2;
	v8 =	vld.idx.msk [tilespmem:v15+s13+$0x0], $0xffff  }
0xea: {  	v15 =	vor.u32 $0x12, v1;
	v11 =	vld.idx.msk [tilespmem:v11+s12+$0x0], $0xffff  }
0xeb: {  	v3 =	vadd.f32 v4, v3;
	v4 =	vmul.f32 v5, v12;
	v12 =	vor.u32 $0x13, v2;
	v5 =	vld.idx.msk [tilespmem:v16+s13+$0x0], $0xffff  }
0xec: {  	v16 =	vor.u32 $0x13, v1;
	v13 =	vld.idx.msk [tilespmem:v13+s12+$0x0], $0xffff  }
0xed: {  	v3 =	vadd.f32 v4, v3;
	v4 =	vmul.f32 v6, v7;
	v7 =	vor.u32 $0x14, v2;
	v6 =	vld.idx.msk [tilespmem:v14+s13+$0x0], $0xffff  }
0xee: {  	v14 =	vor.u32 $0x14, v1;
	v10 =	vld.idx.msk [tilespmem:v10+s12+$0x0], $0xffff  }
0xef: {  	v3 =	vadd.f32 v4, v3;
	v4 =	vmul.f32 v8, v9;
	v9 =	vor.u32 $0x15, v2;
	v8 =	vld.idx.msk [tilespmem:v15+s13+$0x0], $0xffff  }
0xf0: {  	v15 =	vor.u32 $0x15, v1;
	v12 =	vld.idx.msk [tilespmem:v12+s12+$0x0], $0xffff  }
0xf1: {  	v3 =	vadd.f32 v4, v3;
	v4 =	vmul.f32 v5, v11;
	v11 =	vor.u32 $0x16, v2;
	v5 =	vld.idx.msk [tilespmem:v16+s13+$0x0], $0xffff  }
0xf2: {  	v16 =	vor.u32 $0x16, v1;
	v7 =	vld.idx.msk [tilespmem:v7+s12+$0x0], $0xffff  }
0xf3: {  	v3 =	vadd.f32 v4, v3;
	v4 =	vmul.f32 v6, v13;
	v13 =	vor.u32 $0x17, v2;
	v6 =	vld.idx.msk [tilespmem:v14+s13+$0x0], $0xffff  }
0xf4: {  	v14 =	vor.u32 $0x17, v1;
	v9 =	vld.idx.msk [tilespmem:v9+s12+$0x0], $0xffff  }
0xf5: {  	v3 =	vadd.f32 v4, v3;
	v4 =	vmul.f32 v8, v10;
	v10 =	vor.u32 $0x18, v2;
	v8 =	vld.idx.msk [tilespmem:v15+s13+$0x0], $0xffff  }
0xf6: {  	v15 =	vor.u32 $0x18, v1;
	v11 =	vld.idx.msk [tilespmem:v11+s12+$0x0], $0xffff  }
0xf7: {  	v3 =	vadd.f32 v4, v3;
	v4 =	vmul.f32 v5, v12;
	v12 =	vor.u32 $0x19, v2;
	v5 =	vld.idx.msk [tilespmem:v16+s13+$0x0], $0xffff  }
0xf8: {  	v16 =	vor.u32 $0x19, v1;
	v13 =	vld.idx.msk [tilespmem:v13+s12+$0x0], $0xffff  }
0xf9: {  	v3 =	vadd.f32 v4, v3;
	v4 =	vmul.f32 v6, v7;
	v7 =	vor.u32 $0x1A, v2;
	v6 =	vld.idx.msk [tilespmem:v14+s13+$0x0], $0xffff  }
0xfa: {  	v14 =	vor.u32 $0x1A, v1;
	v10 =	vld.idx.msk [tilespmem:v10+s12+$0x0], $0xffff  }
0xfb: {  	v3 =	vadd.f32 v4, v3;
	v4 =	vmul.f32 v8, v9;
	v9 =	vor.u32 $0x1B, v2;
	v8 =	vld.idx.msk [tilespmem:v15+s13+$0x0], $0xffff  }
0xfc: {  	v15 =	vor.u32 $0x1B, v1;
	v12 =	vld.idx.msk [tilespmem:v12+s12+$0x0], $0xffff  }
0xfd: {  	v3 =	vadd.f32 v4, v3;
	v4 =	vmul.f32 v5, v11;
	v11 =	vor.u32 $0x1C, v2;
	v5 =	vld.idx.msk [tilespmem:v16+s13+$0x0], $0xffff  }
0xfe: {  	v16 =	vor.u32 $0x1C, v1;
	v7 =	vld.idx.msk [tilespmem:v7+s12+$0x0], $0xffff  }
0xff: {  	v3 =	vadd.f32 v4, v3;
	v4 =	vmul.f32 v6, v13;
	v13 =	vor.u32 $0x1D, v2;
	v6 =	vld.idx.msk [tilespmem:v14+s13+$0x0], $0xffff  }
0x100: {  	v14 =	vor.u32 $0x1D, v1;
	v9 =	vld.idx.msk [tilespmem:v9+s12+$0x0], $0xffff  }
0x101: {  	v3 =	vadd.f32 v4, v3;
	v4 =	vmul.f32 v8, v10;
	v10 =	vor.u32 $0x1E, v2;
	v8 =	vld.idx.msk [tilespmem:v15+s13+$0x0], $0xffff  }
0x102: {  	v15 =	vor.u32 $0x1E, v1;
	v11 =	vld.idx.msk [tilespmem:v11+s12+$0x0], $0xffff  }
0x103: {  	v3 =	vadd.f32 v4, v3;
	v4 =	vmul.f32 v5, v12;
	v12 =	vor.u32 $0x1F, v2;
	v5 =	vld.idx.msk [tilespmem:v16+s13+$0x0], $0xffff  }
0x104: {  	v16 =	vor.u32 $0x1F, v1;
	v13 =	vld.idx.msk [tilespmem:v13+s12+$0x0], $0xffff  }
0x105: {  	v3 =	vadd.f32 v4, v3;
	v4 =	vmul.f32 v6, v7;
	v7 =	vor.u32 $0x20, v2;
	v6 =	vld.idx.msk [tilespmem:v14+s13+$0x0], $0xffff  }
0x106: {  	v14 =	vor.u32 $0x20, v1;
	v10 =	vld.idx.msk [tilespmem:v10+s12+$0x0], $0xffff  }
0x107: {  	v3 =	vadd.f32 v4, v3;
	v4 =	vmul.f32 v8, v9;
	v9 =	vor.u32 $0x21, v2;
	v8 =	vld.idx.msk [tilespmem:v15+s13+$0x0], $0xffff  }
0x108: {  	v15 =	vor.u32 $0x21, v1;
	v12 =	vld.idx.msk [tilespmem:v12+s12+$0x0], $0xffff  }
0x109: {  	v3 =	vadd.f32 v4, v3;
	v4 =	vmul.f32 v5, v11;
	v11 =	vor.u32 $0x22, v2;
	v5 =	vld.idx.msk [tilespmem:v16+s13+$0x0], $0xffff  }
0x10a: {  	v16 =	vor.u32 $0x22, v1;
	v7 =	vld.idx.msk [tilespmem:v7+s12+$0x0], $0xffff  }
0x10b: {  	v3 =	vadd.f32 v4, v3;
	v4 =	vmul.f32 v6, v13;
	v13 =	vor.u32 $0x23, v2;
	v6 =	vld.idx.msk [tilespmem:v14+s13+$0x0], $0xffff  }
0x10c: {  	v14 =	vor.u32 $0x23, v1;
	v9 =	vld.idx.msk [tilespmem:v9+s12+$0x0], $0xffff  }
0x10d: {  	v3 =	vadd.f32 v4, v3;
	v4 =	vmul.f32 v8, v10;
	v10 =	vor.u32 $0x24, v2;
	v8 =	vld.idx.msk [tilespmem:v15+s13+$0x0], $0xffff  }
0x10e: {  	v15 =	vor.u32 $0x24, v1;
	v11 =	vld.idx.msk [tilespmem:v11+s12+$0x0], $0xffff  }
0x10f: {  	v3 =	vadd.f32 v4, v3;
	v4 =	vmul.f32 v5, v12;
	v12 =	vor.u32 $0x25, v2;
	v5 =	vld.idx.msk [tilespmem:v16+s13+$0x0], $0xffff  }
0x110: {  	v16 =	vor.u32 $0x25, v1;
	v13 =	vld.idx.msk [tilespmem:v13+s12+$0x0], $0xffff  }
0x111: {  	v3 =	vadd.f32 v4, v3;
	v4 =	vmul.f32 v6, v7;
	v7 =	vor.u32 $0x26, v2;
	v6 =	vld.idx.msk [tilespmem:v14+s13+$0x0], $0xffff  }
0x112: {  	v14 =	vor.u32 $0x26, v1;
	v10 =	vld.idx.msk [tilespmem:v10+s12+$0x0], $0xffff  }
0x113: {  	v3 =	vadd.f32 v4, v3;
	v4 =	vmul.f32 v8, v9;
	v9 =	vor.u32 $0x27, v2;
	v8 =	vld.idx.msk [tilespmem:v15+s13+$0x0], $0xffff  }
0x114: {  	v15 =	vor.u32 $0x27, v1;
	v12 =	vld.idx.msk [tilespmem:v12+s12+$0x0], $0xffff  }
0x115: {  	v3 =	vadd.f32 v4, v3;
	v4 =	vmul.f32 v5, v11;
	v11 =	vor.u32 $0x28, v2;
	v5 =	vld.idx.msk [tilespmem:v16+s13+$0x0], $0xffff  }
0x116: {  	v16 =	vor.u32 $0x28, v1;
	v7 =	vld.idx.msk [tilespmem:v7+s12+$0x0], $0xffff  }
0x117: {  	v3 =	vadd.f32 v4, v3;
	v4 =	vmul.f32 v6, v13;
	v13 =	vor.u32 $0x29, v2;
	v6 =	vld.idx.msk [tilespmem:v14+s13+$0x0], $0xffff  }
0x118: {  	v14 =	vor.u32 $0x29, v1;
	v9 =	vld.idx.msk [tilespmem:v9+s12+$0x0], $0xffff  }
0x119: {  	v3 =	vadd.f32 v4, v3;
	v4 =	vmul.f32 v8, v10;
	v10 =	vor.u32 $0x2A, v2;
	v8 =	vld.idx.msk [tilespmem:v15+s13+$0x0], $0xffff  }
0x11a: {  	v15 =	vor.u32 $0x2A, v1;
	v11 =	vld.idx.msk [tilespmem:v11+s12+$0x0], $0xffff  }
0x11b: {  	v3 =	vadd.f32 v4, v3;
	v4 =	vmul.f32 v5, v12;
	v12 =	vor.u32 $0x2B, v2;
	v5 =	vld.idx.msk [tilespmem:v16+s13+$0x0], $0xffff  }
0x11c: {  	v16 =	vor.u32 $0x2B, v1;
	v13 =	vld.idx.msk [tilespmem:v13+s12+$0x0], $0xffff  }
0x11d: {  	v3 =	vadd.f32 v4, v3;
	v4 =	vmul.f32 v6, v7;
	v7 =	vor.u32 $0x2C, v2;
	v6 =	vld.idx.msk [tilespmem:v14+s13+$0x0], $0xffff  }
0x11e: {  	v14 =	vor.u32 $0x2C, v1;
	v10 =	vld.idx.msk [tilespmem:v10+s12+$0x0], $0xffff  }
0x11f: {  	v3 =	vadd.f32 v4, v3;
	v4 =	vmul.f32 v8, v9;
	v9 =	vor.u32 $0x2D, v2;
	v8 =	vld.idx.msk [tilespmem:v15+s13+$0x0], $0xffff  }
0x120: {  	v15 =	vor.u32 $0x2D, v1;
	v12 =	vld.idx.msk [tilespmem:v12+s12+$0x0], $0xffff  }
0x121: {  	v3 =	vadd.f32 v4, v3;
	v4 =	vmul.f32 v5, v11;
	v11 =	vor.u32 $0x2E, v2;
	v5 =	vld.idx.msk [tilespmem:v16+s13+$0x0], $0xffff  }
0x122: {  	v16 =	vor.u32 $0x2E, v1;
	v7 =	vld.idx.msk [tilespmem:v7+s12+$0x0], $0xffff  }
0x123: {  	v3 =	vadd.f32 v4, v3;
	v4 =	vmul.f32 v6, v13;
	v13 =	vor.u32 $0x2F, v2;
	v6 =	vld.idx.msk [tilespmem:v14+s13+$0x0], $0xffff  }
0x124: {  	v14 =	vor.u32 $0x2F, v1;
	v9 =	vld.idx.msk [tilespmem:v9+s12+$0x0], $0xffff  }
0x125: {  	v3 =	vadd.f32 v4, v3;
	v4 =	vmul.f32 v8, v10;
	v10 =	vor.u32 $0x30, v2;
	v8 =	vld.idx.msk [tilespmem:v15+s13+$0x0], $0xffff  }
0x126: {  	v15 =	vor.u32 $0x30, v1;
	v11 =	vld.idx.msk [tilespmem:v11+s12+$0x0], $0xffff  }
0x127: {  	v3 =	vadd.f32 v4, v3;
	v4 =	vmul.f32 v5, v12;
	v12 =	vor.u32 $0x31, v2;
	v5 =	vld.idx.msk [tilespmem:v16+s13+$0x0], $0xffff  }
0x128: {  	v16 =	vor.u32 $0x31, v1;
	v13 =	vld.idx.msk [tilespmem:v13+s12+$0x0], $0xffff  }
0x129: {  	v3 =	vadd.f32 v4, v3;
	v4 =	vmul.f32 v6, v7;
	v7 =	vor.u32 $0x32, v2;
	v6 =	vld.idx.msk [tilespmem:v14+s13+$0x0], $0xffff  }
0x12a: {  	v14 =	vor.u32 $0x32, v1;
	v10 =	vld.idx.msk [tilespmem:v10+s12+$0x0], $0xffff  }
0x12b: {  	v3 =	vadd.f32 v4, v3;
	v4 =	vmul.f32 v8, v9;
	v9 =	vor.u32 $0x33, v2;
	v8 =	vld.idx.msk [tilespmem:v15+s13+$0x0], $0xffff  }
0x12c: {  	v15 =	vor.u32 $0x33, v1;
	v12 =	vld.idx.msk [tilespmem:v12+s12+$0x0], $0xffff  }
0x12d: {  	v3 =	vadd.f32 v4, v3;
	v4 =	vmul.f32 v5, v11;
	v11 =	vor.u32 $0x34, v2;
	v5 =	vld.idx.msk [tilespmem:v16+s13+$0x0], $0xffff  }
0x12e: {  	v16 =	vor.u32 $0x34, v1;
	v7 =	vld.idx.msk [tilespmem:v7+s12+$0x0], $0xffff  }
0x12f: {  	v3 =	vadd.f32 v4, v3;
	v4 =	vmul.f32 v6, v13;
	v13 =	vor.u32 $0x35, v2;
	v6 =	vld.idx.msk [tilespmem:v14+s13+$0x0], $0xffff  }
0x130: {  	v14 =	vor.u32 $0x35, v1;
	v9 =	vld.idx.msk [tilespmem:v9+s12+$0x0], $0xffff  }
0x131: {  	v3 =	vadd.f32 v4, v3;
	v4 =	vmul.f32 v8, v10;
	v10 =	vor.u32 $0x36, v2;
	v8 =	vld.idx.msk [tilespmem:v15+s13+$0x0], $0xffff  }
0x132: {  	v15 =	vor.u32 $0x36, v1;
	v11 =	vld.idx.msk [tilespmem:v11+s12+$0x0], $0xffff  }
0x133: {  	v3 =	vadd.f32 v4, v3;
	v4 =	vmul.f32 v5, v12;
	v12 =	vor.u32 $0x37, v2;
	v5 =	vld.idx.msk [tilespmem:v16+s13+$0x0], $0xffff  }
0x134: {  	v16 =	vor.u32 $0x37, v1;
	v13 =	vld.idx.msk [tilespmem:v13+s12+$0x0], $0xffff  }
0x135: {  	v3 =	vadd.f32 v4, v3;
	v4 =	vmul.f32 v6, v7;
	v7 =	vor.u32 $0x38, v2;
	v6 =	vld.idx.msk [tilespmem:v14+s13+$0x0], $0xffff  }
0x136: {  	v14 =	vor.u32 $0x38, v1;
	v10 =	vld.idx.msk [tilespmem:v10+s12+$0x0], $0xffff  }
0x137: {  	v3 =	vadd.f32 v4, v3;
	v4 =	vmul.f32 v8, v9;
	v9 =	vor.u32 $0x39, v2;
	v8 =	vld.idx.msk [tilespmem:v15+s13+$0x0], $0xffff  }
0x138: {  	v15 =	vor.u32 $0x39, v1;
	v12 =	vld.idx.msk [tilespmem:v12+s12+$0x0], $0xffff  }
0x139: {  	v3 =	vadd.f32 v4, v3;
	v4 =	vmul.f32 v5, v11;
	v11 =	vor.u32 $0x3A, v2;
	v5 =	vld.idx.msk [tilespmem:v16+s13+$0x0], $0xffff  }
0x13a: {  	v16 =	vor.u32 $0x3A, v1;
	v7 =	vld.idx.msk [tilespmem:v7+s12+$0x0], $0xffff  }
0x13b: {  	v3 =	vadd.f32 v4, v3;
	v4 =	vmul.f32 v6, v13;
	v13 =	vor.u32 $0x3B, v2;
	v6 =	vld.idx.msk [tilespmem:v14+s13+$0x0], $0xffff  }
0x13c: {  	v14 =	vor.u32 $0x3B, v1;
	v9 =	vld.idx.msk [tilespmem:v9+s12+$0x0], $0xffff  }
0x13d: {  	v3 =	vadd.f32 v4, v3;
	v4 =	vmul.f32 v8, v10;
	v10 =	vor.u32 $0x3C, v2;
	v8 =	vld.idx.msk [tilespmem:v15+s13+$0x0], $0xffff  }
0x13e: {  	v15 =	vor.u32 $0x3C, v1;
	v11 =	vld.idx.msk [tilespmem:v11+s12+$0x0], $0xffff  }
0x13f: {  	v3 =	vadd.f32 v4, v3;
	v4 =	vmul.f32 v5, v12;
	v12 =	vor.u32 $0x3D, v2;
	v5 =	vld.idx.msk [tilespmem:v16+s13+$0x0], $0xffff  }
0x140: {  	v16 =	vor.u32 $0x3D, v1;
	v13 =	vld.idx.msk [tilespmem:v13+s12+$0x0], $0xffff  }
0x141: {  	v3 =	vadd.f32 v4, v3;
	v4 =	vmul.f32 v6, v7;
	v7 =	vor.u32 $0x3E, v2;
	v6 =	vld.idx.msk [tilespmem:v14+s13+$0x0], $0xffff  }
0x142: {  	v14 =	vor.u32 $0x3E, v1;
	v10 =	vld.idx.msk [tilespmem:v10+s12+$0x0], $0xffff  }
0x143: {  	v2 =	vor.u32 $0x3F, v2;
	v3 =	vadd.f32 v4, v3;
	v4 =	vmul.f32 v8, v9;
	v8 =	vld.idx.msk [tilespmem:v15+s13+$0x0], $0xffff  }
0x144: {  	v1 =	vor.u32 $0x3F, v1;
	v9 =	vld.idx.msk [tilespmem:v12+s12+$0x0], $0xffff  }
0x145: {  	v3 =	vadd.f32 v4, v3;
	v4 =	vmul.f32 v5, v11;
	v5 =	vld.idx.msk [tilespmem:v16+s13+$0x0], $0xffff  }
0x146: {  	v7 =	vld.idx.msk [tilespmem:v7+s12+$0x0], $0xffff  }
0x147: {  	v3 =	vadd.f32 v4, v3;
	v4 =	vmul.f32 v6, v13;
	v6 =	vld.idx.msk [tilespmem:v14+s13+$0x0], $0xffff  }
0x148: {  	v2 =	vld.idx.msk [tilespmem:v2+s12+$0x0], $0xffff  }
0x149: {  	v3 =	vadd.f32 v4, v3;
	v4 =	vmul.f32 v8, v10;
	v1 =	vld.idx.msk [tilespmem:v1+s13+$0x0], $0xffff;
	_ =	sdelay $0x1  }
0x14a: {  	v3 =	vadd.f32 v4, v3;
	v4 =	vmul.f32 v5, v9;
	_ =	sdelay $0x1  }
0x14b: {  	v3 =	vadd.f32 v4, v3;
	v4 =	vmul.f32 v6, v7;
	_ =	sdelay $0x1  }
0x14c: {  	v3 =	vadd.f32 v4, v3;
	v1 =	vmul.f32 v1, v2;
	_ =	sdelay $0x1  }
.Ltmp1:
0x14d: {  	v1 =	vadd.f32 v1, v3;
	(pc) =	sbr.rel @p0 .LBB2_5-.Ltmp1, $4  }
0x14e: {  	s22 =	sadd.s32 $0x10, s22  }
0x14f: {  	s23 =	sadd.s32 $0x10, s23;
	[tilespmem:s22+$0x0] =	vst v1  }
0x150: {  	s24 =	sadd.s32 $0x10, s24;
	v1 =	vld [tilespmem:s23+$0x0]  }
0x151: {  	s26 =	sadd.s32 $0x10, s26;
	v2 =	vld [tilespmem:s24+$0x0]  }
0x152: {  	_ =	sdelay $0x1  }
0x153: {  	v3 =	vmov s25  }
0x154: {  	v3 =	vshll.u32 v3, $0x7;
	v1 =	vshrl.u32 v1, $0x8  }
0x155: {  	v3 =	vor.u32 v0, v3;
	v1 =	vand.u32 $0x40, v1;
	v2 =	vshrl.u32 v2, $0x8  }
0x156: {  	v4 =	vand.u32 $0x40, v2;
	v2 =	vor.u32 v3, v1  }
0x157: {  	v1 =	vor.u32 v3, v4  }
0x158: {  	v3 =	vor.u32 $0x1, v2  }
0x159: {  	v4 =	vor.u32 $0x1, v1  }
0x15a: {  	v5 =	vor.u32 $0x2, v2  }
0x15b: {  	v7 =	vor.u32 $0x2, v1;
	v6 =	vld.idx.msk [tilespmem:v2+s12+$0x0], $0xffff  }
0x15c: {  	v9 =	vor.u32 $0x3, v2;
	v8 =	vld.idx.msk [tilespmem:v1+s13+$0x0], $0xffff  }
0x15d: {  	v10 =	vor.u32 $0x3, v1;
	v3 =	vld.idx.msk [tilespmem:v3+s12+$0x0], $0xffff  }
0x15e: {  	v11 =	vor.u32 $0x4, v2;
	v4 =	vld.idx.msk [tilespmem:v4+s13+$0x0], $0xffff  }
0x15f: {  	v12 =	vor.u32 $0x4, v1;
	v5 =	vld.idx.msk [tilespmem:v5+s12+$0x0], $0xffff  }
0x160: {  	v13 =	vor.u32 $0x5, v2;
	v7 =	vld.idx.msk [tilespmem:v7+s13+$0x0], $0xffff  }
0x161: {  	v14 =	vor.u32 $0x5, v1;
	v9 =	vld.idx.msk [tilespmem:v9+s12+$0x0], $0xffff;
	v6 =	vmul.f32 v8, v6  }
0x162: {  	v53 =	vor.u32 $0x6, v2;
	v52 =	vld.idx.msk [tilespmem:v10+s13+$0x0], $0xffff  }
0x163: {  	v15 =	vor.u32 $0x6, v1;
	v11 =	vld.idx.msk [tilespmem:v11+s12+$0x0], $0xffff;
	v3 =	vmul.f32 v4, v3;
	v6 =	vadd.f32 $0.0e+00, v6  }
0x164: {  	v55 =	vor.u32 $0x7, v2;
	v54 =	vld.idx.msk [tilespmem:v12+s13+$0x0], $0xffff  }
0x165: {  	v16 =	vor.u32 $0x7, v1;
	v13 =	vld.idx.msk [tilespmem:v13+s12+$0x0], $0xffff;
	v5 =	vmul.f32 v7, v5;
	v3 =	vadd.f32 v3, v6  }
0x166: {  	v58 =	vor.u32 $0x8, v1;
	v56 =	vld.idx.msk [tilespmem:v14+s13+$0x0], $0xffff  }
0x167: {  	v57 =	vor.u32 $0x8, v2;
	v10 =	vld.idx.msk [tilespmem:v53+s12+$0x0], $0xffff;
	v59 =	vmul.f32 v52, v9;
	v3 =	vadd.f32 v5, v3  }
0x168: {  	v62 =	vor.u32 $0x9, v1;
	v60 =	vld.idx.msk [tilespmem:v15+s13+$0x0], $0xffff  }
0x169: {  	v61 =	vor.u32 $0x9, v2;
	v12 =	vld.idx.msk [tilespmem:v55+s12+$0x0], $0xffff;
	v4 =	vmul.f32 v54, v11;
	v3 =	vadd.f32 v59, v3  }
0x16a: {  	v21 =	vor.u32 $0xA, v1;
	v63 =	vld.idx.msk [tilespmem:v16+s13+$0x0], $0xffff  }
0x16b: {  	v20 =	vor.u32 $0xA, v2;
	v23 =	vld.idx.msk [tilespmem:v58+s13+$0x0], $0xffff;
	v22 =	vmul.f32 v56, v13;
	v3 =	vadd.f32 v4, v3  }
0x16c: {  	v25 =	vor.u32 $0xB, v1;
	v7 =	vld.idx.msk [tilespmem:v57+s12+$0x0], $0xffff  }
0x16d: {  	v24 =	vor.u32 $0xB, v2;
	v27 =	vld.idx.msk [tilespmem:v62+s13+$0x0], $0xffff;
	v26 =	vmul.f32 v60, v10;
	v3 =	vadd.f32 v22, v3  }
0x16e: {  	v29 =	vor.u32 $0xC, v1;
	v9 =	vld.idx.msk [tilespmem:v61+s12+$0x0], $0xffff  }
0x16f: {  	v28 =	vor.u32 $0xC, v2;
	v31 =	vld.idx.msk [tilespmem:v21+s13+$0x0], $0xffff;
	v30 =	vmul.f32 v63, v12;
	v3 =	vadd.f32 v26, v3  }
0x170: {  	v33 =	vor.u32 $0xD, v1;
	v11 =	vld.idx.msk [tilespmem:v20+s12+$0x0], $0xffff  }
0x171: {  	v32 =	vor.u32 $0xD, v2;
	v35 =	vld.idx.msk [tilespmem:v25+s13+$0x0], $0xffff;
	v34 =	vmul.f32 v23, v7;
	v3 =	vadd.f32 v30, v3  }
0x172: {  	v37 =	vor.u32 $0xE, v1;
	v13 =	vld.idx.msk [tilespmem:v24+s12+$0x0], $0xffff  }
0x173: {  	v36 =	vor.u32 $0xE, v2;
	v39 =	vld.idx.msk [tilespmem:v29+s13+$0x0], $0xffff;
	v38 =	vmul.f32 v27, v9;
	v3 =	vadd.f32 v34, v3  }
0x174: {  	v41 =	vor.u32 $0xF, v1;
	v10 =	vld.idx.msk [tilespmem:v28+s12+$0x0], $0xffff  }
0x175: {  	v40 =	vor.u32 $0xF, v2;
	v43 =	vld.idx.msk [tilespmem:v33+s13+$0x0], $0xffff;
	v42 =	vmul.f32 v31, v11;
	v3 =	vadd.f32 v38, v3  }
0x176: {  	v45 =	vor.u32 $0x10, v1;
	v12 =	vld.idx.msk [tilespmem:v32+s12+$0x0], $0xffff  }
0x177: {  	v44 =	vor.u32 $0x10, v2;
	v47 =	vld.idx.msk [tilespmem:v37+s13+$0x0], $0xffff;
	v46 =	vmul.f32 v35, v13;
	v3 =	vadd.f32 v42, v3  }
0x178: {  	v48 =	vor.u32 $0x11, v2;
	v7 =	vld.idx.msk [tilespmem:v36+s12+$0x0], $0xffff  }
0x179: {  	v49 =	vor.u32 $0x11, v1;
	v51 =	vld.idx.msk [tilespmem:v41+s13+$0x0], $0xffff;
	v50 =	vmul.f32 v39, v10;
	v3 =	vadd.f32 v46, v3  }
0x17a: {  	v53 =	vor.u32 $0x12, v1;
	v9 =	vld.idx.msk [tilespmem:v40+s12+$0x0], $0xffff  }
0x17b: {  	v55 =	vld.idx.msk [tilespmem:v45+s13+$0x0], $0xffff;
	v52 =	vor.u32 $0x12, v2;
	v54 =	vmul.f32 v43, v12;
	v3 =	vadd.f32 v50, v3  }
0x17c: {  	v56 =	vor.u32 $0x13, v2;
	v11 =	vld.idx.msk [tilespmem:v44+s12+$0x0], $0xffff  }
0x17d: {  	v57 =	vor.u32 $0x13, v1;
	v13 =	vld.idx.msk [tilespmem:v48+s12+$0x0], $0xffff;
	v58 =	vmul.f32 v47, v7;
	v3 =	vadd.f32 v54, v3  }
0x17e: {  	v61 =	vor.u32 $0x14, v1;
	v59 =	vld.idx.msk [tilespmem:v49+s13+$0x0], $0xffff  }
0x17f: {  	v60 =	vor.u32 $0x14, v2;
	v63 =	vld.idx.msk [tilespmem:v53+s13+$0x0], $0xffff;
	v62 =	vmul.f32 v51, v9;
	v3 =	vadd.f32 v58, v3  }
0x180: {  	v21 =	vor.u32 $0x15, v1;
	v10 =	vld.idx.msk [tilespmem:v52+s12+$0x0], $0xffff  }
0x181: {  	v20 =	vor.u32 $0x15, v2;
	v12 =	vld.idx.msk [tilespmem:v56+s12+$0x0], $0xffff;
	v22 =	vmul.f32 v55, v11;
	v3 =	vadd.f32 v62, v3  }
0x182: {  	v25 =	vor.u32 $0x16, v1;
	v23 =	vld.idx.msk [tilespmem:v57+s13+$0x0], $0xffff  }
0x183: {  	v24 =	vor.u32 $0x16, v2;
	v27 =	vld.idx.msk [tilespmem:v61+s13+$0x0], $0xffff;
	v26 =	vmul.f32 v59, v13;
	v3 =	vadd.f32 v22, v3  }
0x184: {  	v29 =	vor.u32 $0x17, v1;
	v7 =	vld.idx.msk [tilespmem:v60+s12+$0x0], $0xffff  }
0x185: {  	v28 =	vor.u32 $0x17, v2;
	v31 =	vld.idx.msk [tilespmem:v21+s13+$0x0], $0xffff;
	v30 =	vmul.f32 v63, v10;
	v3 =	vadd.f32 v26, v3  }
0x186: {  	v33 =	vor.u32 $0x18, v1;
	v9 =	vld.idx.msk [tilespmem:v20+s12+$0x0], $0xffff  }
0x187: {  	v32 =	vor.u32 $0x18, v2;
	v35 =	vld.idx.msk [tilespmem:v25+s13+$0x0], $0xffff;
	v34 =	vmul.f32 v23, v12;
	v3 =	vadd.f32 v30, v3  }
0x188: {  	v37 =	vor.u32 $0x19, v1;
	v11 =	vld.idx.msk [tilespmem:v24+s12+$0x0], $0xffff  }
0x189: {  	v36 =	vor.u32 $0x19, v2;
	v39 =	vld.idx.msk [tilespmem:v29+s13+$0x0], $0xffff;
	v38 =	vmul.f32 v27, v7;
	v3 =	vadd.f32 v34, v3  }
0x18a: {  	v41 =	vor.u32 $0x1A, v1;
	v13 =	vld.idx.msk [tilespmem:v28+s12+$0x0], $0xffff  }
0x18b: {  	v40 =	vor.u32 $0x1A, v2;
	v43 =	vld.idx.msk [tilespmem:v33+s13+$0x0], $0xffff;
	v42 =	vmul.f32 v31, v9;
	v3 =	vadd.f32 v38, v3  }
0x18c: {  	v45 =	vor.u32 $0x1B, v1;
	v10 =	vld.idx.msk [tilespmem:v32+s12+$0x0], $0xffff  }
0x18d: {  	v44 =	vor.u32 $0x1B, v2;
	v47 =	vld.idx.msk [tilespmem:v37+s13+$0x0], $0xffff;
	v46 =	vmul.f32 v35, v11;
	v3 =	vadd.f32 v42, v3  }
0x18e: {  	v49 =	vor.u32 $0x1C, v1;
	v12 =	vld.idx.msk [tilespmem:v36+s12+$0x0], $0xffff  }
0x18f: {  	v48 =	vor.u32 $0x1C, v2;
	v51 =	vld.idx.msk [tilespmem:v41+s13+$0x0], $0xffff;
	v50 =	vmul.f32 v39, v13;
	v3 =	vadd.f32 v46, v3  }
0x190: {  	v53 =	vor.u32 $0x1D, v1;
	v7 =	vld.idx.msk [tilespmem:v40+s12+$0x0], $0xffff  }
0x191: {  	v52 =	vor.u32 $0x1D, v2;
	v55 =	vld.idx.msk [tilespmem:v45+s13+$0x0], $0xffff;
	v54 =	vmul.f32 v43, v10;
	v3 =	vadd.f32 v50, v3  }
0x192: {  	v57 =	vor.u32 $0x1E, v1;
	v9 =	vld.idx.msk [tilespmem:v44+s12+$0x0], $0xffff  }
0x193: {  	v56 =	vor.u32 $0x1E, v2;
	v59 =	vld.idx.msk [tilespmem:v49+s13+$0x0], $0xffff;
	v58 =	vmul.f32 v47, v12;
	v3 =	vadd.f32 v54, v3  }
0x194: {  	v61 =	vor.u32 $0x1F, v1;
	v11 =	vld.idx.msk [tilespmem:v48+s12+$0x0], $0xffff  }
0x195: {  	v60 =	vor.u32 $0x1F, v2;
	v63 =	vld.idx.msk [tilespmem:v53+s13+$0x0], $0xffff;
	v62 =	vmul.f32 v51, v7;
	v3 =	vadd.f32 v58, v3  }
0x196: {  	v21 =	vor.u32 $0x20, v1;
	v13 =	vld.idx.msk [tilespmem:v52+s12+$0x0], $0xffff  }
0x197: {  	v20 =	vor.u32 $0x20, v2;
	v23 =	vld.idx.msk [tilespmem:v57+s13+$0x0], $0xffff;
	v22 =	vmul.f32 v55, v9;
	v3 =	vadd.f32 v62, v3  }
0x198: {  	v25 =	vor.u32 $0x21, v1;
	v10 =	vld.idx.msk [tilespmem:v56+s12+$0x0], $0xffff  }
0x199: {  	v24 =	vor.u32 $0x21, v2;
	v27 =	vld.idx.msk [tilespmem:v61+s13+$0x0], $0xffff;
	v26 =	vmul.f32 v59, v11;
	v3 =	vadd.f32 v22, v3  }
0x19a: {  	v29 =	vor.u32 $0x22, v1;
	v12 =	vld.idx.msk [tilespmem:v60+s12+$0x0], $0xffff  }
0x19b: {  	v28 =	vor.u32 $0x22, v2;
	v31 =	vld.idx.msk [tilespmem:v21+s13+$0x0], $0xffff;
	v30 =	vmul.f32 v63, v13;
	v3 =	vadd.f32 v26, v3  }
0x19c: {  	v33 =	vor.u32 $0x23, v1;
	v7 =	vld.idx.msk [tilespmem:v20+s12+$0x0], $0xffff  }
0x19d: {  	v32 =	vor.u32 $0x23, v2;
	v35 =	vld.idx.msk [tilespmem:v25+s13+$0x0], $0xffff;
	v34 =	vmul.f32 v23, v10;
	v3 =	vadd.f32 v30, v3  }
0x19e: {  	v37 =	vor.u32 $0x24, v1;
	v9 =	vld.idx.msk [tilespmem:v24+s12+$0x0], $0xffff  }
0x19f: {  	v36 =	vor.u32 $0x24, v2;
	v39 =	vld.idx.msk [tilespmem:v29+s13+$0x0], $0xffff;
	v38 =	vmul.f32 v27, v12;
	v3 =	vadd.f32 v34, v3  }
0x1a0: {  	v41 =	vor.u32 $0x25, v1;
	v11 =	vld.idx.msk [tilespmem:v28+s12+$0x0], $0xffff  }
0x1a1: {  	v40 =	vor.u32 $0x25, v2;
	v43 =	vld.idx.msk [tilespmem:v33+s13+$0x0], $0xffff;
	v42 =	vmul.f32 v31, v7;
	v3 =	vadd.f32 v38, v3  }
0x1a2: {  	v45 =	vor.u32 $0x26, v1;
	v13 =	vld.idx.msk [tilespmem:v32+s12+$0x0], $0xffff  }
0x1a3: {  	v44 =	vor.u32 $0x26, v2;
	v47 =	vld.idx.msk [tilespmem:v37+s13+$0x0], $0xffff;
	v46 =	vmul.f32 v35, v9;
	v3 =	vadd.f32 v42, v3  }
0x1a4: {  	v49 =	vor.u32 $0x27, v1;
	v10 =	vld.idx.msk [tilespmem:v36+s12+$0x0], $0xffff  }
0x1a5: {  	v48 =	vor.u32 $0x27, v2;
	v51 =	vld.idx.msk [tilespmem:v41+s13+$0x0], $0xffff;
	v50 =	vmul.f32 v39, v11;
	v3 =	vadd.f32 v46, v3  }
0x1a6: {  	v53 =	vor.u32 $0x28, v1;
	v12 =	vld.idx.msk [tilespmem:v40+s12+$0x0], $0xffff  }
0x1a7: {  	v52 =	vor.u32 $0x28, v2;
	v55 =	vld.idx.msk [tilespmem:v45+s13+$0x0], $0xffff;
	v54 =	vmul.f32 v43, v13;
	v3 =	vadd.f32 v50, v3  }
0x1a8: {  	v57 =	vor.u32 $0x29, v1;
	v7 =	vld.idx.msk [tilespmem:v44+s12+$0x0], $0xffff  }
0x1a9: {  	v56 =	vor.u32 $0x29, v2;
	v59 =	vld.idx.msk [tilespmem:v49+s13+$0x0], $0xffff;
	v58 =	vmul.f32 v47, v10;
	v3 =	vadd.f32 v54, v3  }
0x1aa: {  	v61 =	vor.u32 $0x2A, v1;
	v9 =	vld.idx.msk [tilespmem:v48+s12+$0x0], $0xffff  }
0x1ab: {  	v60 =	vor.u32 $0x2A, v2;
	v63 =	vld.idx.msk [tilespmem:v53+s13+$0x0], $0xffff;
	v62 =	vmul.f32 v51, v12;
	v3 =	vadd.f32 v58, v3  }
0x1ac: {  	v21 =	vor.u32 $0x2B, v1;
	v11 =	vld.idx.msk [tilespmem:v52+s12+$0x0], $0xffff  }
0x1ad: {  	v20 =	vor.u32 $0x2B, v2;
	v23 =	vld.idx.msk [tilespmem:v57+s13+$0x0], $0xffff;
	v22 =	vmul.f32 v55, v7;
	v3 =	vadd.f32 v62, v3  }
0x1ae: {  	v25 =	vor.u32 $0x2C, v1;
	v13 =	vld.idx.msk [tilespmem:v56+s12+$0x0], $0xffff  }
0x1af: {  	v24 =	vor.u32 $0x2C, v2;
	v27 =	vld.idx.msk [tilespmem:v61+s13+$0x0], $0xffff;
	v26 =	vmul.f32 v59, v9;
	v3 =	vadd.f32 v22, v3  }
0x1b0: {  	v29 =	vor.u32 $0x2D, v1;
	v10 =	vld.idx.msk [tilespmem:v60+s12+$0x0], $0xffff  }
0x1b1: {  	v28 =	vor.u32 $0x2D, v2;
	v31 =	vld.idx.msk [tilespmem:v21+s13+$0x0], $0xffff;
	v30 =	vmul.f32 v63, v11;
	v3 =	vadd.f32 v26, v3  }
0x1b2: {  	v33 =	vor.u32 $0x2E, v1;
	v12 =	vld.idx.msk [tilespmem:v20+s12+$0x0], $0xffff  }
0x1b3: {  	v32 =	vor.u32 $0x2E, v2;
	v35 =	vld.idx.msk [tilespmem:v25+s13+$0x0], $0xffff;
	v34 =	vmul.f32 v23, v13;
	v3 =	vadd.f32 v30, v3  }
0x1b4: {  	v37 =	vor.u32 $0x2F, v1;
	v7 =	vld.idx.msk [tilespmem:v24+s12+$0x0], $0xffff  }
0x1b5: {  	v36 =	vor.u32 $0x2F, v2;
	v39 =	vld.idx.msk [tilespmem:v29+s13+$0x0], $0xffff;
	v38 =	vmul.f32 v27, v10;
	v3 =	vadd.f32 v34, v3  }
0x1b6: {  	v41 =	vor.u32 $0x30, v1;
	v9 =	vld.idx.msk [tilespmem:v28+s12+$0x0], $0xffff  }
0x1b7: {  	v40 =	vor.u32 $0x30, v2;
	v43 =	vld.idx.msk [tilespmem:v33+s13+$0x0], $0xffff;
	v42 =	vmul.f32 v31, v12;
	v3 =	vadd.f32 v38, v3  }
0x1b8: {  	v45 =	vor.u32 $0x31, v1;
	v11 =	vld.idx.msk [tilespmem:v32+s12+$0x0], $0xffff  }
0x1b9: {  	v44 =	vor.u32 $0x31, v2;
	v47 =	vld.idx.msk [tilespmem:v37+s13+$0x0], $0xffff;
	v46 =	vmul.f32 v35, v7;
	v3 =	vadd.f32 v42, v3  }
0x1ba: {  	v49 =	vor.u32 $0x32, v1;
	v13 =	vld.idx.msk [tilespmem:v36+s12+$0x0], $0xffff  }
0x1bb: {  	v48 =	vor.u32 $0x32, v2;
	v51 =	vld.idx.msk [tilespmem:v41+s13+$0x0], $0xffff;
	v50 =	vmul.f32 v39, v9;
	v3 =	vadd.f32 v46, v3  }
0x1bc: {  	v53 =	vor.u32 $0x33, v1;
	v10 =	vld.idx.msk [tilespmem:v40+s12+$0x0], $0xffff  }
0x1bd: {  	v52 =	vor.u32 $0x33, v2;
	v55 =	vld.idx.msk [tilespmem:v45+s13+$0x0], $0xffff;
	v54 =	vmul.f32 v43, v11;
	v3 =	vadd.f32 v50, v3  }
0x1be: {  	v57 =	vor.u32 $0x34, v1;
	v12 =	vld.idx.msk [tilespmem:v44+s12+$0x0], $0xffff  }
0x1bf: {  	v56 =	vor.u32 $0x34, v2;
	v59 =	vld.idx.msk [tilespmem:v49+s13+$0x0], $0xffff;
	v58 =	vmul.f32 v47, v13;
	v3 =	vadd.f32 v54, v3  }
0x1c0: {  	v61 =	vor.u32 $0x35, v1;
	v7 =	vld.idx.msk [tilespmem:v48+s12+$0x0], $0xffff  }
0x1c1: {  	v60 =	vor.u32 $0x35, v2;
	v63 =	vld.idx.msk [tilespmem:v53+s13+$0x0], $0xffff;
	v62 =	vmul.f32 v51, v10;
	v3 =	vadd.f32 v58, v3  }
0x1c2: {  	v21 =	vor.u32 $0x36, v1;
	v9 =	vld.idx.msk [tilespmem:v52+s12+$0x0], $0xffff  }
0x1c3: {  	v20 =	vor.u32 $0x36, v2;
	v23 =	vld.idx.msk [tilespmem:v57+s13+$0x0], $0xffff;
	v22 =	vmul.f32 v55, v12;
	v3 =	vadd.f32 v62, v3  }
0x1c4: {  	v25 =	vor.u32 $0x37, v1;
	v11 =	vld.idx.msk [tilespmem:v56+s12+$0x0], $0xffff  }
0x1c5: {  	v24 =	vor.u32 $0x37, v2;
	v27 =	vld.idx.msk [tilespmem:v61+s13+$0x0], $0xffff;
	v26 =	vmul.f32 v59, v7;
	v3 =	vadd.f32 v22, v3  }
0x1c6: {  	v29 =	vor.u32 $0x38, v1;
	v13 =	vld.idx.msk [tilespmem:v60+s12+$0x0], $0xffff  }
0x1c7: {  	v28 =	vor.u32 $0x38, v2;
	v31 =	vld.idx.msk [tilespmem:v21+s13+$0x0], $0xffff;
	v30 =	vmul.f32 v63, v9;
	v3 =	vadd.f32 v26, v3  }
0x1c8: {  	v33 =	vor.u32 $0x39, v1;
	v10 =	vld.idx.msk [tilespmem:v20+s12+$0x0], $0xffff  }
0x1c9: {  	v32 =	vor.u32 $0x39, v2;
	v35 =	vld.idx.msk [tilespmem:v25+s13+$0x0], $0xffff;
	v34 =	vmul.f32 v23, v11;
	v3 =	vadd.f32 v30, v3  }
0x1ca: {  	v37 =	vor.u32 $0x3A, v1;
	v12 =	vld.idx.msk [tilespmem:v24+s12+$0x0], $0xffff  }
0x1cb: {  	v36 =	vor.u32 $0x3A, v2;
	v39 =	vld.idx.msk [tilespmem:v29+s13+$0x0], $0xffff;
	v38 =	vmul.f32 v27, v13;
	v3 =	vadd.f32 v34, v3  }
0x1cc: {  	v41 =	vor.u32 $0x3B, v1;
	v7 =	vld.idx.msk [tilespmem:v28+s12+$0x0], $0xffff  }
0x1cd: {  	v40 =	vor.u32 $0x3B, v2;
	v43 =	vld.idx.msk [tilespmem:v33+s13+$0x0], $0xffff;
	v42 =	vmul.f32 v31, v10;
	v3 =	vadd.f32 v38, v3  }
0x1ce: {  	v45 =	vor.u32 $0x3C, v1;
	v9 =	vld.idx.msk [tilespmem:v32+s12+$0x0], $0xffff  }
0x1cf: {  	v44 =	vor.u32 $0x3C, v2;
	v47 =	vld.idx.msk [tilespmem:v37+s13+$0x0], $0xffff;
	v46 =	vmul.f32 v35, v12;
	v3 =	vadd.f32 v42, v3  }
0x1d0: {  	v48 =	vor.u32 $0x3D, v2;
	v11 =	vld.idx.msk [tilespmem:v36+s12+$0x0], $0xffff  }
0x1d1: {  	v49 =	vor.u32 $0x3D, v1;
	v51 =	vld.idx.msk [tilespmem:v41+s13+$0x0], $0xffff;
	v50 =	vmul.f32 v39, v7;
	v3 =	vadd.f32 v46, v3  }
0x1d2: {  	v53 =	vor.u32 $0x3E, v1;
	v13 =	vld.idx.msk [tilespmem:v40+s12+$0x0], $0xffff  }
0x1d3: {  	v52 =	vor.u32 $0x3E, v2;
	v55 =	vld.idx.msk [tilespmem:v45+s13+$0x0], $0xffff;
	v54 =	vmul.f32 v43, v9;
	v3 =	vadd.f32 v50, v3  }
0x1d4: {  	v1 =	vor.u32 $0x3F, v1;
	v10 =	vld.idx.msk [tilespmem:v44+s12+$0x0], $0xffff  }
0x1d5: {  	v2 =	vor.u32 $0x3F, v2;
	v56 =	vld.idx.msk [tilespmem:v48+s12+$0x0], $0xffff;
	v57 =	vmul.f32 v47, v11;
	v3 =	vadd.f32 v54, v3  }
0x1d6: {  	v58 =	vld.idx.msk [tilespmem:v49+s13+$0x0], $0xffff  }
0x1d7: {  	v60 =	vld.idx.msk [tilespmem:v53+s13+$0x0], $0xffff;
	v59 =	vmul.f32 v51, v13;
	v3 =	vadd.f32 v57, v3  }
0x1d8: {  	v7 =	vld.idx.msk [tilespmem:v52+s12+$0x0], $0xffff  }
0x1d9: {  	v1 =	vld.idx.msk [tilespmem:v1+s13+$0x0], $0xffff;
	v61 =	vmul.f32 v55, v10;
	v3 =	vadd.f32 v59, v3  }
0x1da: {  	v2 =	vld.idx.msk [tilespmem:v2+s12+$0x0], $0xffff  }
0x1db: {  	v62 =	vmul.f32 v58, v56;
	v3 =	vadd.f32 v61, v3;
	_ =	sdelay $0x1  }
0x1dc: {  	s21 =	sadd.s32 $0x1, s21;
	v63 =	vmul.f32 v60, v7;
	v3 =	vadd.f32 v62, v3  }
0x1dd: {  	p0 =	sne.s32 s21, $0x4  }
.Ltmp2:
0x1de: {  	v1 =	vmul.f32 v1, v2;
	v3 =	vadd.f32 v63, v3;
	(pc) =	sbr.rel @p0 .LBB2_4-.Ltmp2, $4  }
0x1df: {  	_ = 	snop  }
0x1e0: {  	v1 =	vadd.f32 v1, v3  }
0x1e1: {  	s22 =	sadd.s32 $0x10, s22  }
0x1e2: {  	s18 =	sadd.s32 $0x80, s18;
	s20 =	sadd.s32 $0x80, s20;
	s19 =	sadd.s32 $0x80, s19;
	[tilespmem:s22+$0x0] =	vst v1  }
0x1e3: {  	s16 =	sadd.s32 $0x1, s16  }
0x1e4: {  	p0 =	sne.s32 s16, s8  }
.Ltmp3:
0x1e5: {  	_ = 	snop;
	(pc) =	sbr.rel @p0 .LBB2_1-.Ltmp3, $4  }
0x1e6: {  	[hbm4b:s7+s1] =	stream.linear.scatter [tilespmem:s15], [sflag:$0x2], $0x200, $0x38;
	[tilespmem:$0x8A00] =	vst v63  }
0x1e7: {  	_ =	swait.ge [sflag:s9], $0x200  }
0x1e8: {  	[sflag:s9] =	ssyncset.done $0x0  }
0x1e9: {  	[sflag:s9] =	ssyncadd.s32 $0xFFFFFE00  }
0x1ea: {  	_ =	sfence.sel $0x180000  }
0x1eb: {  	[bflag:$0x0] =	sbarrier.arrive $0xFFFF  }
0x1ec: {  	p0 =	sne.s32 s2, $0x0;
	_ =	strace $0x90000047  }
0x1ed: {  	s0 =	sadd.s32 @!p0 $0x100000, s0;
	[bflag:$0x2] =	sbarrier.arrive $0xFFFF  }
0x1ee: {  	[sflag:s0] =	ssyncadd.tile.s32 @!p0 $0x1;
	_ =	shalt  }
.Lfunc_end2:
_tile_overlayer_lowered:
.L_overlay_start_2:
0x1ef: {  	(tag) =	ssettag $0x2  }
0x1f0: {  	s0 =	rddreg [dreg:$0x0];
	s2 =	stileid.u32  }
0x1f1: {  	s1 =	rddreg [dreg:$0x1];
	p0 =	sne.s32 s2, $0x0  }
0x1f2: {  	s3 =	rddreg [dreg:$0x2];
	[bflag:$0x3] =	sbarrier.arrive $0xFFFF;
	s2 =	simm.s32 @!p0 $0x1C02  }
0x1f3: {  	[timem:s3], [sflag:s2] =	dma.local @!p0 [hbm:s0], s1  }
0x1f4: {  	s0 =	simm.s32 @!p0 $0x2  }
0x1f5: {  	_ =	swait.ge @!p0 [sflag:s0], s1  }
0x1f6: {  	s1 =	ssub.s32 @!p0 $0x0, s1;
	[sflag:s0] =	ssyncset.done @!p0 $0x0  }
0x1f7: {  	[sflag:s0] =	ssyncadd.s32 @!p0 s1  }
0x1f8: {  	[bflag:$0x3] =	sbarrier.arrive $0xFFFF  }
0x1f9: {  	_ =	shalt  }

</sc_bundles>
